<compile_context>
chip_gen: v7x
topology: tpu7x:2x2x1
jax: 0.10.2.dev20260603
libtpu: 0.0.44.dev20260713+nightly
codegen_flags: <defaults>
</compile_context>

<pallas_src>
import functools

import jax
import jax.numpy as jnp
from jax import lax
from jax.experimental import pallas as pl
from jax.experimental.pallas import tpu as pltpu
from jax.experimental.pallas import tpu_sc as plsc

_NC = 2
_NS = 16
_NW = _NC * _NS
_C = 128
_NBUF = 6
_K = 3


def _emb_body(n_rows, seq_hbm, table_hbm, out_hbm, idx_v, *scratch):
    rows = scratch[:_NBUF]
    gs = scratch[_NBUF:2 * _NBUF]
    ws = scratch[2 * _NBUF:]

    wid = lax.axis_index("s") * _NC + lax.axis_index("c")
    per_w = n_rows // _NW
    n_chunks = per_w // _C
    wbase = wid * per_w

    pltpu.sync_copy(seq_hbm.at[pl.ds(pl.multiple_of(wbase, _C), per_w)], idx_v)

    def fire_g(j, b):
        off = pl.multiple_of(j * _C, _C)
        pltpu.async_copy(table_hbm.at[idx_v.at[pl.ds(off, _C)]], rows[b], gs[b])

    def wait_g(b):
        pltpu.make_async_copy(table_hbm.at[pl.ds(0, _C)], rows[b], gs[b]).wait()

    def fire_wb(j, b):
        off = pl.multiple_of(wbase + j * _C, _C)
        pltpu.async_copy(rows[b], out_hbm.at[pl.ds(off, _C)], ws[b])

    def wait_wb(b):
        pltpu.make_async_copy(table_hbm.at[pl.ds(0, _C)], rows[b], ws[b]).wait()

    wb_fired = [0] * _NBUF
    wb_waited = [0] * _NBUF

    for j in range(_K):
        fire_g(j, j % _NBUF)
    for j in range(_NBUF - _K):
        b = j % _NBUF
        wait_g(b)
        fire_wb(j, b)
        wb_fired[b] += 1
        fire_g(j + _K, (j + _K) % _NBUF)

    start = _NBUF - _K
    n_main = ((n_chunks - _K) - start) // _NBUF

    def outer(g, carry):
        for u in range(_NBUF):
            j = _NBUF * g + u + start
            b = (u + start) % _NBUF
            bk = (u + start + _K) % _NBUF
            wait_g(b)
            fire_wb(j, b)
            wait_wb(bk)
            fire_g(j + _K, bk)
        return carry

    lax.fori_loop(0, n_main, outer, 0)
    for u in range(_NBUF):
        wb_fired[(u + start) % _NBUF] += n_main
        wb_waited[(u + start + _K) % _NBUF] += n_main

    for j in range(start + n_main * _NBUF, n_chunks - _K):
        b = j % _NBUF
        bk = (j + _K) % _NBUF
        wait_g(b)
        fire_wb(j, b)
        wb_fired[b] += 1
        wait_wb(bk)
        wb_waited[bk] += 1
        fire_g(j + _K, bk)

    for j in range(n_chunks - _K, n_chunks):
        b = j % _NBUF
        wait_g(b)
        fire_wb(j, b)
        wb_fired[b] += 1

    for b in range(_NBUF):
        for _ in range(wb_fired[b] - wb_waited[b]):
            wait_wb(b)


def kernel(seq, table):
    B, T = seq.shape
    V, D = table.shape
    n = B * T
    flat = seq.reshape(n).astype(jnp.int32)

    mesh = plsc.VectorSubcoreMesh(core_axis_name="c", subcore_axis_name="s")
    run = pl.kernel(
        functools.partial(_emb_body, n),
        mesh=mesh,
        out_type=jax.ShapeDtypeStruct((n, D), jnp.float32),
        scratch_types=(
            [pltpu.VMEM((n // _NW,), jnp.int32)]
            + [pltpu.VMEM((_C, D), jnp.float32) for _ in range(_NBUF)]
            + [pltpu.SemaphoreType.DMA for _ in range(2 * _NBUF)]
        ),
    )
    out = run(flat, table)
    return out.reshape(B, T, D)

# --- scband reference (transcript-rebuilt; emitter-appended) ---
"""Pipeline reference for scband-bertembedding-8366596293129 (READ-ONLY COPY).

The authoritative reference and input builder live on the scoring server;
editing this copy changes nothing except your own understanding.
"""

import jax, jax.numpy as jnp
import numpy as np
import math

VOCAB_SIZE = 100000
EMBED_SIZE = 128
MAX_LEN = 512


def _positional_embedding(d_model, max_len=MAX_LEN):
    position = np.arange(0, max_len, dtype=np.float32)[:, None]
    div_term = np.exp(np.arange(0, d_model, 2, dtype=np.float32) * -(math.log(10000.0) / d_model))
    pe = np.zeros((max_len, d_model), dtype=np.float32)
    pe[:, 0::2] = np.sin(position * div_term)
    pe[:, 1::2] = np.cos(position * div_term)
    return jnp.asarray(pe)


def setup_inputs(seed: int = 0) -> dict:
    key = jax.random.key(seed)
    k1, k2 = jax.random.split(key)
    seq = jax.random.randint(k1, (1024, 200), 0, VOCAB_SIZE, dtype=jnp.int64 if jax.config.jax_enable_x64 else jnp.int32)
    # Embedding table; padding_idx=0 row is zeroed (as nn.Embedding does at init)
    table = jax.random.normal(k2, (VOCAB_SIZE, EMBED_SIZE), dtype=jnp.float32)
    table = table.at[0].set(0.0)
    return {"seq": seq, "table": table}


def reference(seq, table):
    # BERTEmbedding.forward with default pos=False: just token embedding lookup
    out = jnp.take(table, seq, axis=0)
    return out

if __name__ == "__main__":
    import jax
    _d = setup_inputs()
    print(jax.jit(kernel)(*tuple(_d.values())))

</pallas_src>

<mosaic_0001>
#map = affine_map<(d0, d1) -> (0)>
#map1 = affine_map<(d0, d1) -> (0, 0)>
module attributes {stable_mosaic.version = 14 : i64} {
  func.func @_emb_body(%arg0: i32, %arg1: i32, %arg2: memref<204800xi32, #tpu.memory_space<hbm>>, %arg3: memref<100000x128xf32, #tpu.memory_space<hbm>>, %arg4: memref<204800x128xf32, #tpu.memory_space<hbm>>, %arg5: memref<6400xi32, #tpu.memory_space<vmem>>, %arg6: memref<128x128xf32, #tpu.memory_space<vmem>>, %arg7: memref<128x128xf32, #tpu.memory_space<vmem>>, %arg8: memref<128x128xf32, #tpu.memory_space<vmem>>, %arg9: memref<128x128xf32, #tpu.memory_space<vmem>>, %arg10: memref<128x128xf32, #tpu.memory_space<vmem>>, %arg11: memref<128x128xf32, #tpu.memory_space<vmem>>, %arg12: memref<!tpu.dma_semaphore, #tpu.memory_space<semaphore_mem>>, %arg13: memref<!tpu.dma_semaphore, #tpu.memory_space<semaphore_mem>>, %arg14: memref<!tpu.dma_semaphore, #tpu.memory_space<semaphore_mem>>, %arg15: memref<!tpu.dma_semaphore, #tpu.memory_space<semaphore_mem>>, %arg16: memref<!tpu.dma_semaphore, #tpu.memory_space<semaphore_mem>>, %arg17: memref<!tpu.dma_semaphore, #tpu.memory_space<semaphore_mem>>, %arg18: memref<!tpu.dma_semaphore, #tpu.memory_space<semaphore_mem>>, %arg19: memref<!tpu.dma_semaphore, #tpu.memory_space<semaphore_mem>>, %arg20: memref<!tpu.dma_semaphore, #tpu.memory_space<semaphore_mem>>, %arg21: memref<!tpu.dma_semaphore, #tpu.memory_space<semaphore_mem>>, %arg22: memref<!tpu.dma_semaphore, #tpu.memory_space<semaphore_mem>>, %arg23: memref<!tpu.dma_semaphore, #tpu.memory_space<semaphore_mem>>) attributes {dimension_semantics = [#tpu.dimension_semantics<core_parallel>, #tpu.dimension_semantics<subcore_parallel>], iteration_bounds = array<i64: 2, 16>, scalar_prefetch = 0 : i64, scratch_operands = 19 : i64, tpu.core_type = #tpu.core_type<sc_vector_subcore>, window_params = [{transform_indices = #map}, {transform_indices = #map1}, {transform_indices = #map1}]} {
    %mul3A = arith.constant 2 : i32
    %mul3A_0 = arith.muli %arg1, %mul3A : i32
    %add3A = arith.addi %mul3A_0, %arg0 : i32
    %mul3A_1 = arith.constant 6400 : i32
    %mul3A_2 = arith.muli %add3A, %mul3A_1 : i32
    %multiple_of3A = tpu.assume_multiple %mul3A_2, 128 : i32
    "tpu.region"() ({
      %run_scoped3A = tpu.sem_alloc : memref<!tpu.dma_semaphore, #tpu.memory_space<semaphore_mem>>
      %dma_start3A_206 = tpu.memref_slice %arg2[%multiple_of3A] : memref<204800xi32, #tpu.memory_space<hbm>> -> memref<6400xi32, #tpu.memory_space<hbm>>
      %dma_start3A_207 = tpu.memref_slice %arg2[%multiple_of3A] : memref<204800xi32, #tpu.memory_space<hbm>> -> memref<6400xi32, #tpu.memory_space<hbm>>
      tpu.enqueue_dma source(%dma_start3A_207 : memref<6400xi32, #tpu.memory_space<hbm>>) target(%arg5 : memref<6400xi32, #tpu.memory_space<vmem>>) target_semaphore(%run_scoped3A : memref<!tpu.dma_semaphore, #tpu.memory_space<semaphore_mem>>)
      %dma_wait3A_208 = tpu.memref_slice %arg2[%multiple_of3A] : memref<204800xi32, #tpu.memory_space<hbm>> -> memref<6400xi32, #tpu.memory_space<hbm>>
      %dma_wait3A_209 = tpu.memref_slice %arg2[%multiple_of3A] : memref<204800xi32, #tpu.memory_space<hbm>> -> memref<6400xi32, #tpu.memory_space<hbm>>
      tpu.wait_dma2 semaphore(%run_scoped3A : memref<!tpu.dma_semaphore, #tpu.memory_space<semaphore_mem>>) src(%dma_wait3A_209 : memref<6400xi32, #tpu.memory_space<hbm>>) dst(%arg5 : memref<6400xi32, #tpu.memory_space<vmem>>)
      tpu.yield
    }) : () -> ()
    %multiple_of3A_3 = arith.constant 0 : i32
    %multiple_of3A_4 = tpu.assume_multiple %multiple_of3A_3, 128 : i32
    %dma_start3A = tpu.memref_slice %arg5[%multiple_of3A_4] : memref<6400xi32, #tpu.memory_space<vmem>> -> memref<128xi32, #tpu.memory_space<vmem>>
    %dma_start3A_5 = arith.constant 0 : i32
    %dma_start3A_6 = arith.constant 0 : i32
    %dma_start3A_7 = tpu.memref_slice %arg3[%dma_start3A_5, %dma_start3A_6] : memref<100000x128xf32, #tpu.memory_space<hbm>> -> memref<100000x128xf32, #tpu.memory_space<hbm>>
    tpu.enqueue_indirect_dma source(%dma_start3A_7 : memref<100000x128xf32, #tpu.memory_space<hbm>>) target(%arg6 : memref<128x128xf32, #tpu.memory_space<vmem>>) offsets(%dma_start3A : memref<128xi32, #tpu.memory_space<vmem>>) semaphore(%arg12 : memref<!tpu.dma_semaphore, #tpu.memory_space<semaphore_mem>>)
    %multiple_of3A_8 = arith.constant 128 : i32
    %multiple_of3A_9 = tpu.assume_multiple %multiple_of3A_8, 128 : i32
    %dma_start3A_10 = tpu.memref_slice %arg5[%multiple_of3A_9] : memref<6400xi32, #tpu.memory_space<vmem>> -> memref<128xi32, #tpu.memory_space<vmem>>
    %dma_start3A_11 = arith.constant 0 : i32
    %dma_start3A_12 = arith.constant 0 : i32
    %dma_start3A_13 = tpu.memref_slice %arg3[%dma_start3A_11, %dma_start3A_12] : memref<100000x128xf32, #tpu.memory_space<hbm>> -> memref<100000x128xf32, #tpu.memory_space<hbm>>
    tpu.enqueue_indirect_dma source(%dma_start3A_13 : memref<100000x128xf32, #tpu.memory_space<hbm>>) target(%arg7 : memref<128x128xf32, #tpu.memory_space<vmem>>) offsets(%dma_start3A_10 : memref<128xi32, #tpu.memory_space<vmem>>) semaphore(%arg13 : memref<!tpu.dma_semaphore, #tpu.memory_space<semaphore_mem>>)
    %multiple_of3A_14 = arith.constant 256 : i32
    %multiple_of3A_15 = tpu.assume_multiple %multiple_of3A_14, 128 : i32
    %dma_start3A_16 = tpu.memref_slice %arg5[%multiple_of3A_15] : memref<6400xi32, #tpu.memory_space<vmem>> -> memref<128xi32, #tpu.memory_space<vmem>>
    %dma_start3A_17 = arith.constant 0 : i32
    %dma_start3A_18 = arith.constant 0 : i32
    %dma_start3A_19 = tpu.memref_slice %arg3[%dma_start3A_17, %dma_start3A_18] : memref<100000x128xf32, #tpu.memory_space<hbm>> -> memref<100000x128xf32, #tpu.memory_space<hbm>>
    tpu.enqueue_indirect_dma source(%dma_start3A_19 : memref<100000x128xf32, #tpu.memory_space<hbm>>) target(%arg8 : memref<128x128xf32, #tpu.memory_space<vmem>>) offsets(%dma_start3A_16 : memref<128xi32, #tpu.memory_space<vmem>>) semaphore(%arg14 : memref<!tpu.dma_semaphore, #tpu.memory_space<semaphore_mem>>)
    %dma_wait3A = arith.constant 0 : i32
    %dma_wait3A_20 = arith.constant 0 : i32
    %dma_wait3A_21 = tpu.memref_slice %arg3[%dma_wait3A, %dma_wait3A_20] : memref<100000x128xf32, #tpu.memory_space<hbm>> -> memref<128x128xf32, #tpu.memory_space<hbm>>
    %dma_wait3A_22 = arith.constant 0 : i32
    %dma_wait3A_23 = arith.constant 0 : i32
    %dma_wait3A_24 = tpu.memref_slice %arg3[%dma_wait3A_22, %dma_wait3A_23] : memref<100000x128xf32, #tpu.memory_space<hbm>> -> memref<128x128xf32, #tpu.memory_space<hbm>>
    tpu.wait_dma2 semaphore(%arg12 : memref<!tpu.dma_semaphore, #tpu.memory_space<semaphore_mem>>) src(%dma_wait3A_24 : memref<128x128xf32, #tpu.memory_space<hbm>>) dst(%arg6 : memref<128x128xf32, #tpu.memory_space<vmem>>)
    %add3A_25 = arith.constant 0 : i32
    %add3A_26 = arith.addi %mul3A_2, %add3A_25 : i32
    %multiple_of3A_27 = tpu.assume_multiple %add3A_26, 128 : i32
    %dma_start3A_28 = arith.constant 0 : i32
    %dma_start3A_29 = tpu.memref_slice %arg4[%multiple_of3A_27, %dma_start3A_28] : memref<204800x128xf32, #tpu.memory_space<hbm>> -> memref<128x128xf32, #tpu.memory_space<hbm>>
    %dma_start3A_30 = arith.constant 0 : i32
    %dma_start3A_31 = tpu.memref_slice %arg4[%multiple_of3A_27, %dma_start3A_30] : memref<204800x128xf32, #tpu.memory_space<hbm>> -> memref<128x128xf32, #tpu.memory_space<hbm>>
    tpu.enqueue_dma source(%arg6 : memref<128x128xf32, #tpu.memory_space<vmem>>) target(%dma_start3A_31 : memref<128x128xf32, #tpu.memory_space<hbm>>) target_semaphore(%arg18 : memref<!tpu.dma_semaphore, #tpu.memory_space<semaphore_mem>>)
    %multiple_of3A_32 = arith.constant 384 : i32
    %multiple_of3A_33 = tpu.assume_multiple %multiple_of3A_32, 128 : i32
    %dma_start3A_34 = tpu.memref_slice %arg5[%multiple_of3A_33] : memref<6400xi32, #tpu.memory_space<vmem>> -> memref<128xi32, #tpu.memory_space<vmem>>
    %dma_start3A_35 = arith.constant 0 : i32
    %dma_start3A_36 = arith.constant 0 : i32
    %dma_start3A_37 = tpu.memref_slice %arg3[%dma_start3A_35, %dma_start3A_36] : memref<100000x128xf32, #tpu.memory_space<hbm>> -> memref<100000x128xf32, #tpu.memory_space<hbm>>
    tpu.enqueue_indirect_dma source(%dma_start3A_37 : memref<100000x128xf32, #tpu.memory_space<hbm>>) target(%arg9 : memref<128x128xf32, #tpu.memory_space<vmem>>) offsets(%dma_start3A_34 : memref<128xi32, #tpu.memory_space<vmem>>) semaphore(%arg15 : memref<!tpu.dma_semaphore, #tpu.memory_space<semaphore_mem>>)
    %dma_wait3A_38 = arith.constant 0 : i32
    %dma_wait3A_39 = arith.constant 0 : i32
    %dma_wait3A_40 = tpu.memref_slice %arg3[%dma_wait3A_38, %dma_wait3A_39] : memref<100000x128xf32, #tpu.memory_space<hbm>> -> memref<128x128xf32, #tpu.memory_space<hbm>>
    %dma_wait3A_41 = arith.constant 0 : i32
    %dma_wait3A_42 = arith.constant 0 : i32
    %dma_wait3A_43 = tpu.memref_slice %arg3[%dma_wait3A_41, %dma_wait3A_42] : memref<100000x128xf32, #tpu.memory_space<hbm>> -> memref<128x128xf32, #tpu.memory_space<hbm>>
    tpu.wait_dma2 semaphore(%arg13 : memref<!tpu.dma_semaphore, #tpu.memory_space<semaphore_mem>>) src(%dma_wait3A_43 : memref<128x128xf32, #tpu.memory_space<hbm>>) dst(%arg7 : memref<128x128xf32, #tpu.memory_space<vmem>>)
    %add3A_44 = arith.constant 128 : i32
    %add3A_45 = arith.addi %mul3A_2, %add3A_44 : i32
    %multiple_of3A_46 = tpu.assume_multiple %add3A_45, 128 : i32
    %dma_start3A_47 = arith.constant 0 : i32
    %dma_start3A_48 = tpu.memref_slice %arg4[%multiple_of3A_46, %dma_start3A_47] : memref<204800x128xf32, #tpu.memory_space<hbm>> -> memref<128x128xf32, #tpu.memory_space<hbm>>
    %dma_start3A_49 = arith.constant 0 : i32
    %dma_start3A_50 = tpu.memref_slice %arg4[%multiple_of3A_46, %dma_start3A_49] : memref<204800x128xf32, #tpu.memory_space<hbm>> -> memref<128x128xf32, #tpu.memory_space<hbm>>
    tpu.enqueue_dma source(%arg7 : memref<128x128xf32, #tpu.memory_space<vmem>>) target(%dma_start3A_50 : memref<128x128xf32, #tpu.memory_space<hbm>>) target_semaphore(%arg19 : memref<!tpu.dma_semaphore, #tpu.memory_space<semaphore_mem>>)
    %multiple_of3A_51 = arith.constant 512 : i32
    %multiple_of3A_52 = tpu.assume_multiple %multiple_of3A_51, 128 : i32
    %dma_start3A_53 = tpu.memref_slice %arg5[%multiple_of3A_52] : memref<6400xi32, #tpu.memory_space<vmem>> -> memref<128xi32, #tpu.memory_space<vmem>>
    %dma_start3A_54 = arith.constant 0 : i32
    %dma_start3A_55 = arith.constant 0 : i32
    %dma_start3A_56 = tpu.memref_slice %arg3[%dma_start3A_54, %dma_start3A_55] : memref<100000x128xf32, #tpu.memory_space<hbm>> -> memref<100000x128xf32, #tpu.memory_space<hbm>>
    tpu.enqueue_indirect_dma source(%dma_start3A_56 : memref<100000x128xf32, #tpu.memory_space<hbm>>) target(%arg10 : memref<128x128xf32, #tpu.memory_space<vmem>>) offsets(%dma_start3A_53 : memref<128xi32, #tpu.memory_space<vmem>>) semaphore(%arg16 : memref<!tpu.dma_semaphore, #tpu.memory_space<semaphore_mem>>)
    %dma_wait3A_57 = arith.constant 0 : i32
    %dma_wait3A_58 = arith.constant 0 : i32
    %dma_wait3A_59 = tpu.memref_slice %arg3[%dma_wait3A_57, %dma_wait3A_58] : memref<100000x128xf32, #tpu.memory_space<hbm>> -> memref<128x128xf32, #tpu.memory_space<hbm>>
    %dma_wait3A_60 = arith.constant 0 : i32
    %dma_wait3A_61 = arith.constant 0 : i32
    %dma_wait3A_62 = tpu.memref_slice %arg3[%dma_wait3A_60, %dma_wait3A_61] : memref<100000x128xf32, #tpu.memory_space<hbm>> -> memref<128x128xf32, #tpu.memory_space<hbm>>
    tpu.wait_dma2 semaphore(%arg14 : memref<!tpu.dma_semaphore, #tpu.memory_space<semaphore_mem>>) src(%dma_wait3A_62 : memref<128x128xf32, #tpu.memory_space<hbm>>) dst(%arg8 : memref<128x128xf32, #tpu.memory_space<vmem>>)
    %add3A_63 = arith.constant 256 : i32
    %add3A_64 = arith.addi %mul3A_2, %add3A_63 : i32
    %multiple_of3A_65 = tpu.assume_multiple %add3A_64, 128 : i32
    %dma_start3A_66 = arith.constant 0 : i32
    %dma_start3A_67 = tpu.memref_slice %arg4[%multiple_of3A_65, %dma_start3A_66] : memref<204800x128xf32, #tpu.memory_space<hbm>> -> memref<128x128xf32, #tpu.memory_space<hbm>>
    %dma_start3A_68 = arith.constant 0 : i32
    %dma_start3A_69 = tpu.memref_slice %arg4[%multiple_of3A_65, %dma_start3A_68] : memref<204800x128xf32, #tpu.memory_space<hbm>> -> memref<128x128xf32, #tpu.memory_space<hbm>>
    tpu.enqueue_dma source(%arg8 : memref<128x128xf32, #tpu.memory_space<vmem>>) target(%dma_start3A_69 : memref<128x128xf32, #tpu.memory_space<hbm>>) target_semaphore(%arg20 : memref<!tpu.dma_semaphore, #tpu.memory_space<semaphore_mem>>)
    %multiple_of3A_70 = arith.constant 640 : i32
    %multiple_of3A_71 = tpu.assume_multiple %multiple_of3A_70, 128 : i32
    %dma_start3A_72 = tpu.memref_slice %arg5[%multiple_of3A_71] : memref<6400xi32, #tpu.memory_space<vmem>> -> memref<128xi32, #tpu.memory_space<vmem>>
    %dma_start3A_73 = arith.constant 0 : i32
    %dma_start3A_74 = arith.constant 0 : i32
    %dma_start3A_75 = tpu.memref_slice %arg3[%dma_start3A_73, %dma_start3A_74] : memref<100000x128xf32, #tpu.memory_space<hbm>> -> memref<100000x128xf32, #tpu.memory_space<hbm>>
    tpu.enqueue_indirect_dma source(%dma_start3A_75 : memref<100000x128xf32, #tpu.memory_space<hbm>>) target(%arg11 : memref<128x128xf32, #tpu.memory_space<vmem>>) offsets(%dma_start3A_72 : memref<128xi32, #tpu.memory_space<vmem>>) semaphore(%arg17 : memref<!tpu.dma_semaphore, #tpu.memory_space<semaphore_mem>>)
    %scan3A = arith.constant 0 : i32
    %scan3A_76 = arith.constant 0 : i32
    %scan3A_77 = arith.constant 7 : i32
    %scan3A_78 = arith.addi %scan3A_76, %scan3A_77 : i32
    %scan3A_79 = arith.constant 1 : i32
    scf.for %scan3A_206 = %scan3A_76 to %scan3A_78 step %scan3A_79  : i32 {
      %mul3A_207 = arith.constant 6 : i32
      %mul3A_208 = arith.muli %mul3A_207, %scan3A_206 : i32
      %add3A_209 = arith.constant 0 : i32
      %add3A_210 = arith.addi %mul3A_208, %add3A_209 : i32
      %add3A_211 = arith.constant 3 : i32
      %add3A_212 = arith.addi %add3A_210, %add3A_211 : i32
      %dma_wait3A_213 = arith.constant 0 : i32
      %dma_wait3A_214 = arith.constant 0 : i32
      %dma_wait3A_215 = tpu.memref_slice %arg3[%dma_wait3A_213, %dma_wait3A_214] : memref<100000x128xf32, #tpu.memory_space<hbm>> -> memref<128x128xf32, #tpu.memory_space<hbm>>
      %dma_wait3A_216 = arith.constant 0 : i32
      %dma_wait3A_217 = arith.constant 0 : i32
      %dma_wait3A_218 = tpu.memref_slice %arg3[%dma_wait3A_216, %dma_wait3A_217] : memref<100000x128xf32, #tpu.memory_space<hbm>> -> memref<128x128xf32, #tpu.memory_space<hbm>>
      tpu.wait_dma2 semaphore(%arg15 : memref<!tpu.dma_semaphore, #tpu.memory_space<semaphore_mem>>) src(%dma_wait3A_218 : memref<128x128xf32, #tpu.memory_space<hbm>>) dst(%arg9 : memref<128x128xf32, #tpu.memory_space<vmem>>)
      %mul3A_219 = arith.constant 128 : i32
      %mul3A_220 = arith.muli %add3A_212, %mul3A_219 : i32
      %add3A_221 = arith.addi %mul3A_2, %mul3A_220 : i32
      %multiple_of3A_222 = tpu.assume_multiple %add3A_221, 128 : i32
      %dma_start3A_223 = arith.constant 0 : i32
      %dma_start3A_224 = tpu.memref_slice %arg4[%multiple_of3A_222, %dma_start3A_223] : memref<204800x128xf32, #tpu.memory_space<hbm>> -> memref<128x128xf32, #tpu.memory_space<hbm>>
      %dma_start3A_225 = arith.constant 0 : i32
      %dma_start3A_226 = tpu.memref_slice %arg4[%multiple_of3A_222, %dma_start3A_225] : memref<204800x128xf32, #tpu.memory_space<hbm>> -> memref<128x128xf32, #tpu.memory_space<hbm>>
      tpu.enqueue_dma source(%arg9 : memref<128x128xf32, #tpu.memory_space<vmem>>) target(%dma_start3A_226 : memref<128x128xf32, #tpu.memory_space<hbm>>) target_semaphore(%arg21 : memref<!tpu.dma_semaphore, #tpu.memory_space<semaphore_mem>>)
      %dma_wait3A_227 = arith.constant 0 : i32
      %dma_wait3A_228 = arith.constant 0 : i32
      %dma_wait3A_229 = tpu.memref_slice %arg3[%dma_wait3A_227, %dma_wait3A_228] : memref<100000x128xf32, #tpu.memory_space<hbm>> -> memref<128x128xf32, #tpu.memory_space<hbm>>
      %dma_wait3A_230 = arith.constant 0 : i32
      %dma_wait3A_231 = arith.constant 0 : i32
      %dma_wait3A_232 = tpu.memref_slice %arg3[%dma_wait3A_230, %dma_wait3A_231] : memref<100000x128xf32, #tpu.memory_space<hbm>> -> memref<128x128xf32, #tpu.memory_space<hbm>>
      tpu.wait_dma2 semaphore(%arg18 : memref<!tpu.dma_semaphore, #tpu.memory_space<semaphore_mem>>) src(%dma_wait3A_232 : memref<128x128xf32, #tpu.memory_space<hbm>>) dst(%arg6 : memref<128x128xf32, #tpu.memory_space<vmem>>)
      %add3A_233 = arith.constant 3 : i32
      %add3A_234 = arith.addi %add3A_212, %add3A_233 : i32
      %mul3A_235 = arith.constant 128 : i32
      %mul3A_236 = arith.muli %add3A_234, %mul3A_235 : i32
      %multiple_of3A_237 = tpu.assume_multiple %mul3A_236, 128 : i32
      %dma_start3A_238 = tpu.memref_slice %arg5[%multiple_of3A_237] : memref<6400xi32, #tpu.memory_space<vmem>> -> memref<128xi32, #tpu.memory_space<vmem>>
      %dma_start3A_239 = arith.constant 0 : i32
      %dma_start3A_240 = arith.constant 0 : i32
      %dma_start3A_241 = tpu.memref_slice %arg3[%dma_start3A_239, %dma_start3A_240] : memref<100000x128xf32, #tpu.memory_space<hbm>> -> memref<100000x128xf32, #tpu.memory_space<hbm>>
      tpu.enqueue_indirect_dma source(%dma_start3A_241 : memref<100000x128xf32, #tpu.memory_space<hbm>>) target(%arg6 : memref<128x128xf32, #tpu.memory_space<vmem>>) offsets(%dma_start3A_238 : memref<128xi32, #tpu.memory_space<vmem>>) semaphore(%arg12 : memref<!tpu.dma_semaphore, #tpu.memory_space<semaphore_mem>>)
      %mul3A_242 = arith.constant 6 : i32
      %mul3A_243 = arith.muli %mul3A_242, %scan3A_206 : i32
      %add3A_244 = arith.constant 1 : i32
      %add3A_245 = arith.addi %mul3A_243, %add3A_244 : i32
      %add3A_246 = arith.constant 3 : i32
      %add3A_247 = arith.addi %add3A_245, %add3A_246 : i32
      %dma_wait3A_248 = arith.constant 0 : i32
      %dma_wait3A_249 = arith.constant 0 : i32
      %dma_wait3A_250 = tpu.memref_slice %arg3[%dma_wait3A_248, %dma_wait3A_249] : memref<100000x128xf32, #tpu.memory_space<hbm>> -> memref<128x128xf32, #tpu.memory_space<hbm>>
      %dma_wait3A_251 = arith.constant 0 : i32
      %dma_wait3A_252 = arith.constant 0 : i32
      %dma_wait3A_253 = tpu.memref_slice %arg3[%dma_wait3A_251, %dma_wait3A_252] : memref<100000x128xf32, #tpu.memory_space<hbm>> -> memref<128x128xf32, #tpu.memory_space<hbm>>
      tpu.wait_dma2 semaphore(%arg16 : memref<!tpu.dma_semaphore, #tpu.memory_space<semaphore_mem>>) src(%dma_wait3A_253 : memref<128x128xf32, #tpu.memory_space<hbm>>) dst(%arg10 : memref<128x128xf32, #tpu.memory_space<vmem>>)
      %mul3A_254 = arith.constant 128 : i32
      %mul3A_255 = arith.muli %add3A_247, %mul3A_254 : i32
      %add3A_256 = arith.addi %mul3A_2, %mul3A_255 : i32
      %multiple_of3A_257 = tpu.assume_multiple %add3A_256, 128 : i32
      %dma_start3A_258 = arith.constant 0 : i32
      %dma_start3A_259 = tpu.memref_slice %arg4[%multiple_of3A_257, %dma_start3A_258] : memref<204800x128xf32, #tpu.memory_space<hbm>> -> memref<128x128xf32, #tpu.memory_space<hbm>>
      %dma_start3A_260 = arith.constant 0 : i32
      %dma_start3A_261 = tpu.memref_slice %arg4[%multiple_of3A_257, %dma_start3A_260] : memref<204800x128xf32, #tpu.memory_space<hbm>> -> memref<128x128xf32, #tpu.memory_space<hbm>>
      tpu.enqueue_dma source(%arg10 : memref<128x128xf32, #tpu.memory_space<vmem>>) target(%dma_start3A_261 : memref<128x128xf32, #tpu.memory_space<hbm>>) target_semaphore(%arg22 : memref<!tpu.dma_semaphore, #tpu.memory_space<semaphore_mem>>)
      %dma_wait3A_262 = arith.constant 0 : i32
      %dma_wait3A_263 = arith.constant 0 : i32
      %dma_wait3A_264 = tpu.memref_slice %arg3[%dma_wait3A_262, %dma_wait3A_263] : memref<100000x128xf32, #tpu.memory_space<hbm>> -> memref<128x128xf32, #tpu.memory_space<hbm>>
      %dma_wait3A_265 = arith.constant 0 : i32
      %dma_wait3A_266 = arith.constant 0 : i32
      %dma_wait3A_267 = tpu.memref_slice %arg3[%dma_wait3A_265, %dma_wait3A_266] : memref<100000x128xf32, #tpu.memory_space<hbm>> -> memref<128x128xf32, #tpu.memory_space<hbm>>
      tpu.wait_dma2 semaphore(%arg19 : memref<!tpu.dma_semaphore, #tpu.memory_space<semaphore_mem>>) src(%dma_wait3A_267 : memref<128x128xf32, #tpu.memory_space<hbm>>) dst(%arg7 : memref<128x128xf32, #tpu.memory_space<vmem>>)
      %add3A_268 = arith.constant 3 : i32
      %add3A_269 = arith.addi %add3A_247, %add3A_268 : i32
      %mul3A_270 = arith.constant 128 : i32
      %mul3A_271 = arith.muli %add3A_269, %mul3A_270 : i32
      %multiple_of3A_272 = tpu.assume_multiple %mul3A_271, 128 : i32
      %dma_start3A_273 = tpu.memref_slice %arg5[%multiple_of3A_272] : memref<6400xi32, #tpu.memory_space<vmem>> -> memref<128xi32, #tpu.memory_space<vmem>>
      %dma_start3A_274 = arith.constant 0 : i32
      %dma_start3A_275 = arith.constant 0 : i32
      %dma_start3A_276 = tpu.memref_slice %arg3[%dma_start3A_274, %dma_start3A_275] : memref<100000x128xf32, #tpu.memory_space<hbm>> -> memref<100000x128xf32, #tpu.memory_space<hbm>>
      tpu.enqueue_indirect_dma source(%dma_start3A_276 : memref<100000x128xf32, #tpu.memory_space<hbm>>) target(%arg7 : memref<128x128xf32, #tpu.memory_space<vmem>>) offsets(%dma_start3A_273 : memref<128xi32, #tpu.memory_space<vmem>>) semaphore(%arg13 : memref<!tpu.dma_semaphore, #tpu.memory_space<semaphore_mem>>)
      %mul3A_277 = arith.constant 6 : i32
      %mul3A_278 = arith.muli %mul3A_277, %scan3A_206 : i32
      %add3A_279 = arith.constant 2 : i32
      %add3A_280 = arith.addi %mul3A_278, %add3A_279 : i32
      %add3A_281 = arith.constant 3 : i32
      %add3A_282 = arith.addi %add3A_280, %add3A_281 : i32
      %dma_wait3A_283 = arith.constant 0 : i32
      %dma_wait3A_284 = arith.constant 0 : i32
      %dma_wait3A_285 = tpu.memref_slice %arg3[%dma_wait3A_283, %dma_wait3A_284] : memref<100000x128xf32, #tpu.memory_space<hbm>> -> memref<128x128xf32, #tpu.memory_space<hbm>>
      %dma_wait3A_286 = arith.constant 0 : i32
      %dma_wait3A_287 = arith.constant 0 : i32
      %dma_wait3A_288 = tpu.memref_slice %arg3[%dma_wait3A_286, %dma_wait3A_287] : memref<100000x128xf32, #tpu.memory_space<hbm>> -> memref<128x128xf32, #tpu.memory_space<hbm>>
      tpu.wait_dma2 semaphore(%arg17 : memref<!tpu.dma_semaphore, #tpu.memory_space<semaphore_mem>>) src(%dma_wait3A_288 : memref<128x128xf32, #tpu.memory_space<hbm>>) dst(%arg11 : memref<128x128xf32, #tpu.memory_space<vmem>>)
      %mul3A_289 = arith.constant 128 : i32
      %mul3A_290 = arith.muli %add3A_282, %mul3A_289 : i32
      %add3A_291 = arith.addi %mul3A_2, %mul3A_290 : i32
      %multiple_of3A_292 = tpu.assume_multiple %add3A_291, 128 : i32
      %dma_start3A_293 = arith.constant 0 : i32
      %dma_start3A_294 = tpu.memref_slice %arg4[%multiple_of3A_292, %dma_start3A_293] : memref<204800x128xf32, #tpu.memory_space<hbm>> -> memref<128x128xf32, #tpu.memory_space<hbm>>
      %dma_start3A_295 = arith.constant 0 : i32
      %dma_start3A_296 = tpu.memref_slice %arg4[%multiple_of3A_292, %dma_start3A_295] : memref<204800x128xf32, #tpu.memory_space<hbm>> -> memref<128x128xf32, #tpu.memory_space<hbm>>
      tpu.enqueue_dma source(%arg11 : memref<128x128xf32, #tpu.memory_space<vmem>>) target(%dma_start3A_296 : memref<128x128xf32, #tpu.memory_space<hbm>>) target_semaphore(%arg23 : memref<!tpu.dma_semaphore, #tpu.memory_space<semaphore_mem>>)
      %dma_wait3A_297 = arith.constant 0 : i32
      %dma_wait3A_298 = arith.constant 0 : i32
      %dma_wait3A_299 = tpu.memref_slice %arg3[%dma_wait3A_297, %dma_wait3A_298] : memref<100000x128xf32, #tpu.memory_space<hbm>> -> memref<128x128xf32, #tpu.memory_space<hbm>>
      %dma_wait3A_300 = arith.constant 0 : i32
      %dma_wait3A_301 = arith.constant 0 : i32
      %dma_wait3A_302 = tpu.memref_slice %arg3[%dma_wait3A_300, %dma_wait3A_301] : memref<100000x128xf32, #tpu.memory_space<hbm>> -> memref<128x128xf32, #tpu.memory_space<hbm>>
      tpu.wait_dma2 semaphore(%arg20 : memref<!tpu.dma_semaphore, #tpu.memory_space<semaphore_mem>>) src(%dma_wait3A_302 : memref<128x128xf32, #tpu.memory_space<hbm>>) dst(%arg8 : memref<128x128xf32, #tpu.memory_space<vmem>>)
      %add3A_303 = arith.constant 3 : i32
      %add3A_304 = arith.addi %add3A_282, %add3A_303 : i32
      %mul3A_305 = arith.constant 128 : i32
      %mul3A_306 = arith.muli %add3A_304, %mul3A_305 : i32
      %multiple_of3A_307 = tpu.assume_multiple %mul3A_306, 128 : i32
      %dma_start3A_308 = tpu.memref_slice %arg5[%multiple_of3A_307] : memref<6400xi32, #tpu.memory_space<vmem>> -> memref<128xi32, #tpu.memory_space<vmem>>
      %dma_start3A_309 = arith.constant 0 : i32
      %dma_start3A_310 = arith.constant 0 : i32
      %dma_start3A_311 = tpu.memref_slice %arg3[%dma_start3A_309, %dma_start3A_310] : memref<100000x128xf32, #tpu.memory_space<hbm>> -> memref<100000x128xf32, #tpu.memory_space<hbm>>
      tpu.enqueue_indirect_dma source(%dma_start3A_311 : memref<100000x128xf32, #tpu.memory_space<hbm>>) target(%arg8 : memref<128x128xf32, #tpu.memory_space<vmem>>) offsets(%dma_start3A_308 : memref<128xi32, #tpu.memory_space<vmem>>) semaphore(%arg14 : memref<!tpu.dma_semaphore, #tpu.memory_space<semaphore_mem>>)
      %mul3A_312 = arith.constant 6 : i32
      %mul3A_313 = arith.muli %mul3A_312, %scan3A_206 : i32
      %add3A_314 = arith.constant 3 : i32
      %add3A_315 = arith.addi %mul3A_313, %add3A_314 : i32
      %add3A_316 = arith.constant 3 : i32
      %add3A_317 = arith.addi %add3A_315, %add3A_316 : i32
      %dma_wait3A_318 = arith.constant 0 : i32
      %dma_wait3A_319 = arith.constant 0 : i32
      %dma_wait3A_320 = tpu.memref_slice %arg3[%dma_wait3A_318, %dma_wait3A_319] : memref<100000x128xf32, #tpu.memory_space<hbm>> -> memref<128x128xf32, #tpu.memory_space<hbm>>
      %dma_wait3A_321 = arith.constant 0 : i32
      %dma_wait3A_322 = arith.constant 0 : i32
      %dma_wait3A_323 = tpu.memref_slice %arg3[%dma_wait3A_321, %dma_wait3A_322] : memref<100000x128xf32, #tpu.memory_space<hbm>> -> memref<128x128xf32, #tpu.memory_space<hbm>>
      tpu.wait_dma2 semaphore(%arg12 : memref<!tpu.dma_semaphore, #tpu.memory_space<semaphore_mem>>) src(%dma_wait3A_323 : memref<128x128xf32, #tpu.memory_space<hbm>>) dst(%arg6 : memref<128x128xf32, #tpu.memory_space<vmem>>)
      %mul3A_324 = arith.constant 128 : i32
      %mul3A_325 = arith.muli %add3A_317, %mul3A_324 : i32
      %add3A_326 = arith.addi %mul3A_2, %mul3A_325 : i32
      %multiple_of3A_327 = tpu.assume_multiple %add3A_326, 128 : i32
      %dma_start3A_328 = arith.constant 0 : i32
      %dma_start3A_329 = tpu.memref_slice %arg4[%multiple_of3A_327, %dma_start3A_328] : memref<204800x128xf32, #tpu.memory_space<hbm>> -> memref<128x128xf32, #tpu.memory_space<hbm>>
      %dma_start3A_330 = arith.constant 0 : i32
      %dma_start3A_331 = tpu.memref_slice %arg4[%multiple_of3A_327, %dma_start3A_330] : memref<204800x128xf32, #tpu.memory_space<hbm>> -> memref<128x128xf32, #tpu.memory_space<hbm>>
      tpu.enqueue_dma source(%arg6 : memref<128x128xf32, #tpu.memory_space<vmem>>) target(%dma_start3A_331 : memref<128x128xf32, #tpu.memory_space<hbm>>) target_semaphore(%arg18 : memref<!tpu.dma_semaphore, #tpu.memory_space<semaphore_mem>>)
      %dma_wait3A_332 = arith.constant 0 : i32
      %dma_wait3A_333 = arith.constant 0 : i32
      %dma_wait3A_334 = tpu.memref_slice %arg3[%dma_wait3A_332, %dma_wait3A_333] : memref<100000x128xf32, #tpu.memory_space<hbm>> -> memref<128x128xf32, #tpu.memory_space<hbm>>
      %dma_wait3A_335 = arith.constant 0 : i32
      %dma_wait3A_336 = arith.constant 0 : i32
      %dma_wait3A_337 = tpu.memref_slice %arg3[%dma_wait3A_335, %dma_wait3A_336] : memref<100000x128xf32, #tpu.memory_space<hbm>> -> memref<128x128xf32, #tpu.memory_space<hbm>>
      tpu.wait_dma2 semaphore(%arg21 : memref<!tpu.dma_semaphore, #tpu.memory_space<semaphore_mem>>) src(%dma_wait3A_337 : memref<128x128xf32, #tpu.memory_space<hbm>>) dst(%arg9 : memref<128x128xf32, #tpu.memory_space<vmem>>)
      %add3A_338 = arith.constant 3 : i32
      %add3A_339 = arith.addi %add3A_317, %add3A_338 : i32
      %mul3A_340 = arith.constant 128 : i32
      %mul3A_341 = arith.muli %add3A_339, %mul3A_340 : i32
      %multiple_of3A_342 = tpu.assume_multiple %mul3A_341, 128 : i32
      %dma_start3A_343 = tpu.memref_slice %arg5[%multiple_of3A_342] : memref<6400xi32, #tpu.memory_space<vmem>> -> memref<128xi32, #tpu.memory_space<vmem>>
      %dma_start3A_344 = arith.constant 0 : i32
      %dma_start3A_345 = arith.constant 0 : i32
      %dma_start3A_346 = tpu.memref_slice %arg3[%dma_start3A_344, %dma_start3A_345] : memref<100000x128xf32, #tpu.memory_space<hbm>> -> memref<100000x128xf32, #tpu.memory_space<hbm>>
      tpu.enqueue_indirect_dma source(%dma_start3A_346 : memref<100000x128xf32, #tpu.memory_space<hbm>>) target(%arg9 : memref<128x128xf32, #tpu.memory_space<vmem>>) offsets(%dma_start3A_343 : memref<128xi32, #tpu.memory_space<vmem>>) semaphore(%arg15 : memref<!tpu.dma_semaphore, #tpu.memory_space<semaphore_mem>>)
      %mul3A_347 = arith.constant 6 : i32
      %mul3A_348 = arith.muli %mul3A_347, %scan3A_206 : i32
      %add3A_349 = arith.constant 4 : i32
      %add3A_350 = arith.addi %mul3A_348, %add3A_349 : i32
      %add3A_351 = arith.constant 3 : i32
      %add3A_352 = arith.addi %add3A_350, %add3A_351 : i32
      %dma_wait3A_353 = arith.constant 0 : i32
      %dma_wait3A_354 = arith.constant 0 : i32
      %dma_wait3A_355 = tpu.memref_slice %arg3[%dma_wait3A_353, %dma_wait3A_354] : memref<100000x128xf32, #tpu.memory_space<hbm>> -> memref<128x128xf32, #tpu.memory_space<hbm>>
      %dma_wait3A_356 = arith.constant 0 : i32
      %dma_wait3A_357 = arith.constant 0 : i32
      %dma_wait3A_358 = tpu.memref_slice %arg3[%dma_wait3A_356, %dma_wait3A_357] : memref<100000x128xf32, #tpu.memory_space<hbm>> -> memref<128x128xf32, #tpu.memory_space<hbm>>
      tpu.wait_dma2 semaphore(%arg13 : memref<!tpu.dma_semaphore, #tpu.memory_space<semaphore_mem>>) src(%dma_wait3A_358 : memref<128x128xf32, #tpu.memory_space<hbm>>) dst(%arg7 : memref<128x128xf32, #tpu.memory_space<vmem>>)
      %mul3A_359 = arith.constant 128 : i32
      %mul3A_360 = arith.muli %add3A_352, %mul3A_359 : i32
      %add3A_361 = arith.addi %mul3A_2, %mul3A_360 : i32
      %multiple_of3A_362 = tpu.assume_multiple %add3A_361, 128 : i32
      %dma_start3A_363 = arith.constant 0 : i32
      %dma_start3A_364 = tpu.memref_slice %arg4[%multiple_of3A_362, %dma_start3A_363] : memref<204800x128xf32, #tpu.memory_space<hbm>> -> memref<128x128xf32, #tpu.memory_space<hbm>>
      %dma_start3A_365 = arith.constant 0 : i32
      %dma_start3A_366 = tpu.memref_slice %arg4[%multiple_of3A_362, %dma_start3A_365] : memref<204800x128xf32, #tpu.memory_space<hbm>> -> memref<128x128xf32, #tpu.memory_space<hbm>>
      tpu.enqueue_dma source(%arg7 : memref<128x128xf32, #tpu.memory_space<vmem>>) target(%dma_start3A_366 : memref<128x128xf32, #tpu.memory_space<hbm>>) target_semaphore(%arg19 : memref<!tpu.dma_semaphore, #tpu.memory_space<semaphore_mem>>)
      %dma_wait3A_367 = arith.constant 0 : i32
      %dma_wait3A_368 = arith.constant 0 : i32
      %dma_wait3A_369 = tpu.memref_slice %arg3[%dma_wait3A_367, %dma_wait3A_368] : memref<100000x128xf32, #tpu.memory_space<hbm>> -> memref<128x128xf32, #tpu.memory_space<hbm>>
      %dma_wait3A_370 = arith.constant 0 : i32
      %dma_wait3A_371 = arith.constant 0 : i32
      %dma_wait3A_372 = tpu.memref_slice %arg3[%dma_wait3A_370, %dma_wait3A_371] : memref<100000x128xf32, #tpu.memory_space<hbm>> -> memref<128x128xf32, #tpu.memory_space<hbm>>
      tpu.wait_dma2 semaphore(%arg22 : memref<!tpu.dma_semaphore, #tpu.memory_space<semaphore_mem>>) src(%dma_wait3A_372 : memref<128x128xf32, #tpu.memory_space<hbm>>) dst(%arg10 : memref<128x128xf32, #tpu.memory_space<vmem>>)
      %add3A_373 = arith.constant 3 : i32
      %add3A_374 = arith.addi %add3A_352, %add3A_373 : i32
      %mul3A_375 = arith.constant 128 : i32
      %mul3A_376 = arith.muli %add3A_374, %mul3A_375 : i32
      %multiple_of3A_377 = tpu.assume_multiple %mul3A_376, 128 : i32
      %dma_start3A_378 = tpu.memref_slice %arg5[%multiple_of3A_377] : memref<6400xi32, #tpu.memory_space<vmem>> -> memref<128xi32, #tpu.memory_space<vmem>>
      %dma_start3A_379 = arith.constant 0 : i32
      %dma_start3A_380 = arith.constant 0 : i32
      %dma_start3A_381 = tpu.memref_slice %arg3[%dma_start3A_379, %dma_start3A_380] : memref<100000x128xf32, #tpu.memory_space<hbm>> -> memref<100000x128xf32, #tpu.memory_space<hbm>>
      tpu.enqueue_indirect_dma source(%dma_start3A_381 : memref<100000x128xf32, #tpu.memory_space<hbm>>) target(%arg10 : memref<128x128xf32, #tpu.memory_space<vmem>>) offsets(%dma_start3A_378 : memref<128xi32, #tpu.memory_space<vmem>>) semaphore(%arg16 : memref<!tpu.dma_semaphore, #tpu.memory_space<semaphore_mem>>)
      %mul3A_382 = arith.constant 6 : i32
      %mul3A_383 = arith.muli %mul3A_382, %scan3A_206 : i32
      %add3A_384 = arith.constant 5 : i32
      %add3A_385 = arith.addi %mul3A_383, %add3A_384 : i32
      %add3A_386 = arith.constant 3 : i32
      %add3A_387 = arith.addi %add3A_385, %add3A_386 : i32
      %dma_wait3A_388 = arith.constant 0 : i32
      %dma_wait3A_389 = arith.constant 0 : i32
      %dma_wait3A_390 = tpu.memref_slice %arg3[%dma_wait3A_388, %dma_wait3A_389] : memref<100000x128xf32, #tpu.memory_space<hbm>> -> memref<128x128xf32, #tpu.memory_space<hbm>>
      %dma_wait3A_391 = arith.constant 0 : i32
      %dma_wait3A_392 = arith.constant 0 : i32
      %dma_wait3A_393 = tpu.memref_slice %arg3[%dma_wait3A_391, %dma_wait3A_392] : memref<100000x128xf32, #tpu.memory_space<hbm>> -> memref<128x128xf32, #tpu.memory_space<hbm>>
      tpu.wait_dma2 semaphore(%arg14 : memref<!tpu.dma_semaphore, #tpu.memory_space<semaphore_mem>>) src(%dma_wait3A_393 : memref<128x128xf32, #tpu.memory_space<hbm>>) dst(%arg8 : memref<128x128xf32, #tpu.memory_space<vmem>>)
      %mul3A_394 = arith.constant 128 : i32
      %mul3A_395 = arith.muli %add3A_387, %mul3A_394 : i32
      %add3A_396 = arith.addi %mul3A_2, %mul3A_395 : i32
      %multiple_of3A_397 = tpu.assume_multiple %add3A_396, 128 : i32
      %dma_start3A_398 = arith.constant 0 : i32
      %dma_start3A_399 = tpu.memref_slice %arg4[%multiple_of3A_397, %dma_start3A_398] : memref<204800x128xf32, #tpu.memory_space<hbm>> -> memref<128x128xf32, #tpu.memory_space<hbm>>
      %dma_start3A_400 = arith.constant 0 : i32
      %dma_start3A_401 = tpu.memref_slice %arg4[%multiple_of3A_397, %dma_start3A_400] : memref<204800x128xf32, #tpu.memory_space<hbm>> -> memref<128x128xf32, #tpu.memory_space<hbm>>
      tpu.enqueue_dma source(%arg8 : memref<128x128xf32, #tpu.memory_space<vmem>>) target(%dma_start3A_401 : memref<128x128xf32, #tpu.memory_space<hbm>>) target_semaphore(%arg20 : memref<!tpu.dma_semaphore, #tpu.memory_space<semaphore_mem>>)
      %dma_wait3A_402 = arith.constant 0 : i32
      %dma_wait3A_403 = arith.constant 0 : i32
      %dma_wait3A_404 = tpu.memref_slice %arg3[%dma_wait3A_402, %dma_wait3A_403] : memref<100000x128xf32, #tpu.memory_space<hbm>> -> memref<128x128xf32, #tpu.memory_space<hbm>>
      %dma_wait3A_405 = arith.constant 0 : i32
      %dma_wait3A_406 = arith.constant 0 : i32
      %dma_wait3A_407 = tpu.memref_slice %arg3[%dma_wait3A_405, %dma_wait3A_406] : memref<100000x128xf32, #tpu.memory_space<hbm>> -> memref<128x128xf32, #tpu.memory_space<hbm>>
      tpu.wait_dma2 semaphore(%arg23 : memref<!tpu.dma_semaphore, #tpu.memory_space<semaphore_mem>>) src(%dma_wait3A_407 : memref<128x128xf32, #tpu.memory_space<hbm>>) dst(%arg11 : memref<128x128xf32, #tpu.memory_space<vmem>>)
      %add3A_408 = arith.constant 3 : i32
      %add3A_409 = arith.addi %add3A_387, %add3A_408 : i32
      %mul3A_410 = arith.constant 128 : i32
      %mul3A_411 = arith.muli %add3A_409, %mul3A_410 : i32
      %multiple_of3A_412 = tpu.assume_multiple %mul3A_411, 128 : i32
      %dma_start3A_413 = tpu.memref_slice %arg5[%multiple_of3A_412] : memref<6400xi32, #tpu.memory_space<vmem>> -> memref<128xi32, #tpu.memory_space<vmem>>
      %dma_start3A_414 = arith.constant 0 : i32
      %dma_start3A_415 = arith.constant 0 : i32
      %dma_start3A_416 = tpu.memref_slice %arg3[%dma_start3A_414, %dma_start3A_415] : memref<100000x128xf32, #tpu.memory_space<hbm>> -> memref<100000x128xf32, #tpu.memory_space<hbm>>
      tpu.enqueue_indirect_dma source(%dma_start3A_416 : memref<100000x128xf32, #tpu.memory_space<hbm>>) target(%arg11 : memref<128x128xf32, #tpu.memory_space<vmem>>) offsets(%dma_start3A_413 : memref<128xi32, #tpu.memory_space<vmem>>) semaphore(%arg17 : memref<!tpu.dma_semaphore, #tpu.memory_space<semaphore_mem>>)
    }
    %scan3A_80 = arith.constant 7 : i32
    %dma_wait3A_81 = arith.constant 0 : i32
    %dma_wait3A_82 = arith.constant 0 : i32
    %dma_wait3A_83 = tpu.memref_slice %arg3[%dma_wait3A_81, %dma_wait3A_82] : memref<100000x128xf32, #tpu.memory_space<hbm>> -> memref<128x128xf32, #tpu.memory_space<hbm>>
    %dma_wait3A_84 = arith.constant 0 : i32
    %dma_wait3A_85 = arith.constant 0 : i32
    %dma_wait3A_86 = tpu.memref_slice %arg3[%dma_wait3A_84, %dma_wait3A_85] : memref<100000x128xf32, #tpu.memory_space<hbm>> -> memref<128x128xf32, #tpu.memory_space<hbm>>
    tpu.wait_dma2 semaphore(%arg15 : memref<!tpu.dma_semaphore, #tpu.memory_space<semaphore_mem>>) src(%dma_wait3A_86 : memref<128x128xf32, #tpu.memory_space<hbm>>) dst(%arg9 : memref<128x128xf32, #tpu.memory_space<vmem>>)
    %add3A_87 = arith.constant 5760 : i32
    %add3A_88 = arith.addi %mul3A_2, %add3A_87 : i32
    %multiple_of3A_89 = tpu.assume_multiple %add3A_88, 128 : i32
    %dma_start3A_90 = arith.constant 0 : i32
    %dma_start3A_91 = tpu.memref_slice %arg4[%multiple_of3A_89, %dma_start3A_90] : memref<204800x128xf32, #tpu.memory_space<hbm>> -> memref<128x128xf32, #tpu.memory_space<hbm>>
    %dma_start3A_92 = arith.constant 0 : i32
    %dma_start3A_93 = tpu.memref_slice %arg4[%multiple_of3A_89, %dma_start3A_92] : memref<204800x128xf32, #tpu.memory_space<hbm>> -> memref<128x128xf32, #tpu.memory_space<hbm>>
    tpu.enqueue_dma source(%arg9 : memref<128x128xf32, #tpu.memory_space<vmem>>) target(%dma_start3A_93 : memref<128x128xf32, #tpu.memory_space<hbm>>) target_semaphore(%arg21 : memref<!tpu.dma_semaphore, #tpu.memory_space<semaphore_mem>>)
    %dma_wait3A_94 = arith.constant 0 : i32
    %dma_wait3A_95 = arith.constant 0 : i32
    %dma_wait3A_96 = tpu.memref_slice %arg3[%dma_wait3A_94, %dma_wait3A_95] : memref<100000x128xf32, #tpu.memory_space<hbm>> -> memref<128x128xf32, #tpu.memory_space<hbm>>
    %dma_wait3A_97 = arith.constant 0 : i32
    %dma_wait3A_98 = arith.constant 0 : i32
    %dma_wait3A_99 = tpu.memref_slice %arg3[%dma_wait3A_97, %dma_wait3A_98] : memref<100000x128xf32, #tpu.memory_space<hbm>> -> memref<128x128xf32, #tpu.memory_space<hbm>>
    tpu.wait_dma2 semaphore(%arg18 : memref<!tpu.dma_semaphore, #tpu.memory_space<semaphore_mem>>) src(%dma_wait3A_99 : memref<128x128xf32, #tpu.memory_space<hbm>>) dst(%arg6 : memref<128x128xf32, #tpu.memory_space<vmem>>)
    %multiple_of3A_100 = arith.constant 6144 : i32
    %multiple_of3A_101 = tpu.assume_multiple %multiple_of3A_100, 128 : i32
    %dma_start3A_102 = tpu.memref_slice %arg5[%multiple_of3A_101] : memref<6400xi32, #tpu.memory_space<vmem>> -> memref<128xi32, #tpu.memory_space<vmem>>
    %dma_start3A_103 = arith.constant 0 : i32
    %dma_start3A_104 = arith.constant 0 : i32
    %dma_start3A_105 = tpu.memref_slice %arg3[%dma_start3A_103, %dma_start3A_104] : memref<100000x128xf32, #tpu.memory_space<hbm>> -> memref<100000x128xf32, #tpu.memory_space<hbm>>
    tpu.enqueue_indirect_dma source(%dma_start3A_105 : memref<100000x128xf32, #tpu.memory_space<hbm>>) target(%arg6 : memref<128x128xf32, #tpu.memory_space<vmem>>) offsets(%dma_start3A_102 : memref<128xi32, #tpu.memory_space<vmem>>) semaphore(%arg12 : memref<!tpu.dma_semaphore, #tpu.memory_space<semaphore_mem>>)
    %dma_wait3A_106 = arith.constant 0 : i32
    %dma_wait3A_107 = arith.constant 0 : i32
    %dma_wait3A_108 = tpu.memref_slice %arg3[%dma_wait3A_106, %dma_wait3A_107] : memref<100000x128xf32, #tpu.memory_space<hbm>> -> memref<128x128xf32, #tpu.memory_space<hbm>>
    %dma_wait3A_109 = arith.constant 0 : i32
    %dma_wait3A_110 = arith.constant 0 : i32
    %dma_wait3A_111 = tpu.memref_slice %arg3[%dma_wait3A_109, %dma_wait3A_110] : memref<100000x128xf32, #tpu.memory_space<hbm>> -> memref<128x128xf32, #tpu.memory_space<hbm>>
    tpu.wait_dma2 semaphore(%arg16 : memref<!tpu.dma_semaphore, #tpu.memory_space<semaphore_mem>>) src(%dma_wait3A_111 : memref<128x128xf32, #tpu.memory_space<hbm>>) dst(%arg10 : memref<128x128xf32, #tpu.memory_space<vmem>>)
    %add3A_112 = arith.constant 5888 : i32
    %add3A_113 = arith.addi %mul3A_2, %add3A_112 : i32
    %multiple_of3A_114 = tpu.assume_multiple %add3A_113, 128 : i32
    %dma_start3A_115 = arith.constant 0 : i32
    %dma_start3A_116 = tpu.memref_slice %arg4[%multiple_of3A_114, %dma_start3A_115] : memref<204800x128xf32, #tpu.memory_space<hbm>> -> memref<128x128xf32, #tpu.memory_space<hbm>>
    %dma_start3A_117 = arith.constant 0 : i32
    %dma_start3A_118 = tpu.memref_slice %arg4[%multiple_of3A_114, %dma_start3A_117] : memref<204800x128xf32, #tpu.memory_space<hbm>> -> memref<128x128xf32, #tpu.memory_space<hbm>>
    tpu.enqueue_dma source(%arg10 : memref<128x128xf32, #tpu.memory_space<vmem>>) target(%dma_start3A_118 : memref<128x128xf32, #tpu.memory_space<hbm>>) target_semaphore(%arg22 : memref<!tpu.dma_semaphore, #tpu.memory_space<semaphore_mem>>)
    %dma_wait3A_119 = arith.constant 0 : i32
    %dma_wait3A_120 = arith.constant 0 : i32
    %dma_wait3A_121 = tpu.memref_slice %arg3[%dma_wait3A_119, %dma_wait3A_120] : memref<100000x128xf32, #tpu.memory_space<hbm>> -> memref<128x128xf32, #tpu.memory_space<hbm>>
    %dma_wait3A_122 = arith.constant 0 : i32
    %dma_wait3A_123 = arith.constant 0 : i32
    %dma_wait3A_124 = tpu.memref_slice %arg3[%dma_wait3A_122, %dma_wait3A_123] : memref<100000x128xf32, #tpu.memory_space<hbm>> -> memref<128x128xf32, #tpu.memory_space<hbm>>
    tpu.wait_dma2 semaphore(%arg19 : memref<!tpu.dma_semaphore, #tpu.memory_space<semaphore_mem>>) src(%dma_wait3A_124 : memref<128x128xf32, #tpu.memory_space<hbm>>) dst(%arg7 : memref<128x128xf32, #tpu.memory_space<vmem>>)
    %multiple_of3A_125 = arith.constant 6272 : i32
    %multiple_of3A_126 = tpu.assume_multiple %multiple_of3A_125, 128 : i32
    %dma_start3A_127 = tpu.memref_slice %arg5[%multiple_of3A_126] : memref<6400xi32, #tpu.memory_space<vmem>> -> memref<128xi32, #tpu.memory_space<vmem>>
    %dma_start3A_128 = arith.constant 0 : i32
    %dma_start3A_129 = arith.constant 0 : i32
    %dma_start3A_130 = tpu.memref_slice %arg3[%dma_start3A_128, %dma_start3A_129] : memref<100000x128xf32, #tpu.memory_space<hbm>> -> memref<100000x128xf32, #tpu.memory_space<hbm>>
    tpu.enqueue_indirect_dma source(%dma_start3A_130 : memref<100000x128xf32, #tpu.memory_space<hbm>>) target(%arg7 : memref<128x128xf32, #tpu.memory_space<vmem>>) offsets(%dma_start3A_127 : memref<128xi32, #tpu.memory_space<vmem>>) semaphore(%arg13 : memref<!tpu.dma_semaphore, #tpu.memory_space<semaphore_mem>>)
    %dma_wait3A_131 = arith.constant 0 : i32
    %dma_wait3A_132 = arith.constant 0 : i32
    %dma_wait3A_133 = tpu.memref_slice %arg3[%dma_wait3A_131, %dma_wait3A_132] : memref<100000x128xf32, #tpu.memory_space<hbm>> -> memref<128x128xf32, #tpu.memory_space<hbm>>
    %dma_wait3A_134 = arith.constant 0 : i32
    %dma_wait3A_135 = arith.constant 0 : i32
    %dma_wait3A_136 = tpu.memref_slice %arg3[%dma_wait3A_134, %dma_wait3A_135] : memref<100000x128xf32, #tpu.memory_space<hbm>> -> memref<128x128xf32, #tpu.memory_space<hbm>>
    tpu.wait_dma2 semaphore(%arg17 : memref<!tpu.dma_semaphore, #tpu.memory_space<semaphore_mem>>) src(%dma_wait3A_136 : memref<128x128xf32, #tpu.memory_space<hbm>>) dst(%arg11 : memref<128x128xf32, #tpu.memory_space<vmem>>)
    %add3A_137 = arith.constant 6016 : i32
    %add3A_138 = arith.addi %mul3A_2, %add3A_137 : i32
    %multiple_of3A_139 = tpu.assume_multiple %add3A_138, 128 : i32
    %dma_start3A_140 = arith.constant 0 : i32
    %dma_start3A_141 = tpu.memref_slice %arg4[%multiple_of3A_139, %dma_start3A_140] : memref<204800x128xf32, #tpu.memory_space<hbm>> -> memref<128x128xf32, #tpu.memory_space<hbm>>
    %dma_start3A_142 = arith.constant 0 : i32
    %dma_start3A_143 = tpu.memref_slice %arg4[%multiple_of3A_139, %dma_start3A_142] : memref<204800x128xf32, #tpu.memory_space<hbm>> -> memref<128x128xf32, #tpu.memory_space<hbm>>
    tpu.enqueue_dma source(%arg11 : memref<128x128xf32, #tpu.memory_space<vmem>>) target(%dma_start3A_143 : memref<128x128xf32, #tpu.memory_space<hbm>>) target_semaphore(%arg23 : memref<!tpu.dma_semaphore, #tpu.memory_space<semaphore_mem>>)
    %dma_wait3A_144 = arith.constant 0 : i32
    %dma_wait3A_145 = arith.constant 0 : i32
    %dma_wait3A_146 = tpu.memref_slice %arg3[%dma_wait3A_144, %dma_wait3A_145] : memref<100000x128xf32, #tpu.memory_space<hbm>> -> memref<128x128xf32, #tpu.memory_space<hbm>>
    %dma_wait3A_147 = arith.constant 0 : i32
    %dma_wait3A_148 = arith.constant 0 : i32
    %dma_wait3A_149 = tpu.memref_slice %arg3[%dma_wait3A_147, %dma_wait3A_148] : memref<100000x128xf32, #tpu.memory_space<hbm>> -> memref<128x128xf32, #tpu.memory_space<hbm>>
    tpu.wait_dma2 semaphore(%arg12 : memref<!tpu.dma_semaphore, #tpu.memory_space<semaphore_mem>>) src(%dma_wait3A_149 : memref<128x128xf32, #tpu.memory_space<hbm>>) dst(%arg6 : memref<128x128xf32, #tpu.memory_space<vmem>>)
    %add3A_150 = arith.constant 6144 : i32
    %add3A_151 = arith.addi %mul3A_2, %add3A_150 : i32
    %multiple_of3A_152 = tpu.assume_multiple %add3A_151, 128 : i32
    %dma_start3A_153 = arith.constant 0 : i32
    %dma_start3A_154 = tpu.memref_slice %arg4[%multiple_of3A_152, %dma_start3A_153] : memref<204800x128xf32, #tpu.memory_space<hbm>> -> memref<128x128xf32, #tpu.memory_space<hbm>>
    %dma_start3A_155 = arith.constant 0 : i32
    %dma_start3A_156 = tpu.memref_slice %arg4[%multiple_of3A_152, %dma_start3A_155] : memref<204800x128xf32, #tpu.memory_space<hbm>> -> memref<128x128xf32, #tpu.memory_space<hbm>>
    tpu.enqueue_dma source(%arg6 : memref<128x128xf32, #tpu.memory_space<vmem>>) target(%dma_start3A_156 : memref<128x128xf32, #tpu.memory_space<hbm>>) target_semaphore(%arg18 : memref<!tpu.dma_semaphore, #tpu.memory_space<semaphore_mem>>)
    %dma_wait3A_157 = arith.constant 0 : i32
    %dma_wait3A_158 = arith.constant 0 : i32
    %dma_wait3A_159 = tpu.memref_slice %arg3[%dma_wait3A_157, %dma_wait3A_158] : memref<100000x128xf32, #tpu.memory_space<hbm>> -> memref<128x128xf32, #tpu.memory_space<hbm>>
    %dma_wait3A_160 = arith.constant 0 : i32
    %dma_wait3A_161 = arith.constant 0 : i32
    %dma_wait3A_162 = tpu.memref_slice %arg3[%dma_wait3A_160, %dma_wait3A_161] : memref<100000x128xf32, #tpu.memory_space<hbm>> -> memref<128x128xf32, #tpu.memory_space<hbm>>
    tpu.wait_dma2 semaphore(%arg13 : memref<!tpu.dma_semaphore, #tpu.memory_space<semaphore_mem>>) src(%dma_wait3A_162 : memref<128x128xf32, #tpu.memory_space<hbm>>) dst(%arg7 : memref<128x128xf32, #tpu.memory_space<vmem>>)
    %add3A_163 = arith.constant 6272 : i32
    %add3A_164 = arith.addi %mul3A_2, %add3A_163 : i32
    %multiple_of3A_165 = tpu.assume_multiple %add3A_164, 128 : i32
    %dma_start3A_166 = arith.constant 0 : i32
    %dma_start3A_167 = tpu.memref_slice %arg4[%multiple_of3A_165, %dma_start3A_166] : memref<204800x128xf32, #tpu.memory_space<hbm>> -> memref<128x128xf32, #tpu.memory_space<hbm>>
    %dma_start3A_168 = arith.constant 0 : i32
    %dma_start3A_169 = tpu.memref_slice %arg4[%multiple_of3A_165, %dma_start3A_168] : memref<204800x128xf32, #tpu.memory_space<hbm>> -> memref<128x128xf32, #tpu.memory_space<hbm>>
    tpu.enqueue_dma source(%arg7 : memref<128x128xf32, #tpu.memory_space<vmem>>) target(%dma_start3A_169 : memref<128x128xf32, #tpu.memory_space<hbm>>) target_semaphore(%arg19 : memref<!tpu.dma_semaphore, #tpu.memory_space<semaphore_mem>>)
    %dma_wait3A_170 = arith.constant 0 : i32
    %dma_wait3A_171 = arith.constant 0 : i32
    %dma_wait3A_172 = tpu.memref_slice %arg3[%dma_wait3A_170, %dma_wait3A_171] : memref<100000x128xf32, #tpu.memory_space<hbm>> -> memref<128x128xf32, #tpu.memory_space<hbm>>
    %dma_wait3A_173 = arith.constant 0 : i32
    %dma_wait3A_174 = arith.constant 0 : i32
    %dma_wait3A_175 = tpu.memref_slice %arg3[%dma_wait3A_173, %dma_wait3A_174] : memref<100000x128xf32, #tpu.memory_space<hbm>> -> memref<128x128xf32, #tpu.memory_space<hbm>>
    tpu.wait_dma2 semaphore(%arg18 : memref<!tpu.dma_semaphore, #tpu.memory_space<semaphore_mem>>) src(%dma_wait3A_175 : memref<128x128xf32, #tpu.memory_space<hbm>>) dst(%arg6 : memref<128x128xf32, #tpu.memory_space<vmem>>)
    %dma_wait3A_176 = arith.constant 0 : i32
    %dma_wait3A_177 = arith.constant 0 : i32
    %dma_wait3A_178 = tpu.memref_slice %arg3[%dma_wait3A_176, %dma_wait3A_177] : memref<100000x128xf32, #tpu.memory_space<hbm>> -> memref<128x128xf32, #tpu.memory_space<hbm>>
    %dma_wait3A_179 = arith.constant 0 : i32
    %dma_wait3A_180 = arith.constant 0 : i32
    %dma_wait3A_181 = tpu.memref_slice %arg3[%dma_wait3A_179, %dma_wait3A_180] : memref<100000x128xf32, #tpu.memory_space<hbm>> -> memref<128x128xf32, #tpu.memory_space<hbm>>
    tpu.wait_dma2 semaphore(%arg19 : memref<!tpu.dma_semaphore, #tpu.memory_space<semaphore_mem>>) src(%dma_wait3A_181 : memref<128x128xf32, #tpu.memory_space<hbm>>) dst(%arg7 : memref<128x128xf32, #tpu.memory_space<vmem>>)
    %dma_wait3A_182 = arith.constant 0 : i32
    %dma_wait3A_183 = arith.constant 0 : i32
    %dma_wait3A_184 = tpu.memref_slice %arg3[%dma_wait3A_182, %dma_wait3A_183] : memref<100000x128xf32, #tpu.memory_space<hbm>> -> memref<128x128xf32, #tpu.memory_space<hbm>>
    %dma_wait3A_185 = arith.constant 0 : i32
    %dma_wait3A_186 = arith.constant 0 : i32
    %dma_wait3A_187 = tpu.memref_slice %arg3[%dma_wait3A_185, %dma_wait3A_186] : memref<100000x128xf32, #tpu.memory_space<hbm>> -> memref<128x128xf32, #tpu.memory_space<hbm>>
    tpu.wait_dma2 semaphore(%arg20 : memref<!tpu.dma_semaphore, #tpu.memory_space<semaphore_mem>>) src(%dma_wait3A_187 : memref<128x128xf32, #tpu.memory_space<hbm>>) dst(%arg8 : memref<128x128xf32, #tpu.memory_space<vmem>>)
    %dma_wait3A_188 = arith.constant 0 : i32
    %dma_wait3A_189 = arith.constant 0 : i32
    %dma_wait3A_190 = tpu.memref_slice %arg3[%dma_wait3A_188, %dma_wait3A_189] : memref<100000x128xf32, #tpu.memory_space<hbm>> -> memref<128x128xf32, #tpu.memory_space<hbm>>
    %dma_wait3A_191 = arith.constant 0 : i32
    %dma_wait3A_192 = arith.constant 0 : i32
    %dma_wait3A_193 = tpu.memref_slice %arg3[%dma_wait3A_191, %dma_wait3A_192] : memref<100000x128xf32, #tpu.memory_space<hbm>> -> memref<128x128xf32, #tpu.memory_space<hbm>>
    tpu.wait_dma2 semaphore(%arg21 : memref<!tpu.dma_semaphore, #tpu.memory_space<semaphore_mem>>) src(%dma_wait3A_193 : memref<128x128xf32, #tpu.memory_space<hbm>>) dst(%arg9 : memref<128x128xf32, #tpu.memory_space<vmem>>)
    %dma_wait3A_194 = arith.constant 0 : i32
    %dma_wait3A_195 = arith.constant 0 : i32
    %dma_wait3A_196 = tpu.memref_slice %arg3[%dma_wait3A_194, %dma_wait3A_195] : memref<100000x128xf32, #tpu.memory_space<hbm>> -> memref<128x128xf32, #tpu.memory_space<hbm>>
    %dma_wait3A_197 = arith.constant 0 : i32
    %dma_wait3A_198 = arith.constant 0 : i32
    %dma_wait3A_199 = tpu.memref_slice %arg3[%dma_wait3A_197, %dma_wait3A_198] : memref<100000x128xf32, #tpu.memory_space<hbm>> -> memref<128x128xf32, #tpu.memory_space<hbm>>
    tpu.wait_dma2 semaphore(%arg22 : memref<!tpu.dma_semaphore, #tpu.memory_space<semaphore_mem>>) src(%dma_wait3A_199 : memref<128x128xf32, #tpu.memory_space<hbm>>) dst(%arg10 : memref<128x128xf32, #tpu.memory_space<vmem>>)
    %dma_wait3A_200 = arith.constant 0 : i32
    %dma_wait3A_201 = arith.constant 0 : i32
    %dma_wait3A_202 = tpu.memref_slice %arg3[%dma_wait3A_200, %dma_wait3A_201] : memref<100000x128xf32, #tpu.memory_space<hbm>> -> memref<128x128xf32, #tpu.memory_space<hbm>>
    %dma_wait3A_203 = arith.constant 0 : i32
    %dma_wait3A_204 = arith.constant 0 : i32
    %dma_wait3A_205 = tpu.memref_slice %arg3[%dma_wait3A_203, %dma_wait3A_204] : memref<100000x128xf32, #tpu.memory_space<hbm>> -> memref<128x128xf32, #tpu.memory_space<hbm>>
    tpu.wait_dma2 semaphore(%arg23 : memref<!tpu.dma_semaphore, #tpu.memory_space<semaphore_mem>>) src(%dma_wait3A_205 : memref<128x128xf32, #tpu.memory_space<hbm>>) dst(%arg11 : memref<128x128xf32, #tpu.memory_space<vmem>>)
    return
  }
}

</mosaic_0001>

<sc_bundles>
// kernel: kernel.3.cloned.1.call-start
scs
__scs_entry_jumppad:
0x0: {  	(pc) =	sbr.rel $0x88, $3  }
0x1: {  	(tag) =	ssettag $0x0;
	lr =	simm.s32 $0x1  }
0x2: {  	[smem:$0x3F9F] =	sst lr;
	_ =	strace $0xD0000000  }
0x3: {  	_ = 	snop  }
0x4: {  	_ = 	snop  }
0x5: {  	_ = 	snop  }
0x6: {  	_ = 	snop  }
0x7: {  	_ = 	snop  }
__scs_overlays_trampoline_lowered:
0x8: {  	[smem:$0x3FAE] =	sst s0  }
0x9: {  	[smem:$0x3FAF] =	sst s1  }
0xa: {  	[smem:$0x3FB0] =	sst s2  }
0xb: {  	[smem:$0x3FB1] =	sst s3  }
0xc: {  	[smem:$0x3FB2] =	sst s4  }
0xd: {  	[smem:$0x3FB3] =	sst s5  }
0xe: {  	[smem:$0x3FB4] =	sst s6  }
0xf: {  	[smem:$0x3FB5] =	sst s7  }
0x10: {  	[smem:$0x3FB6] =	sst s8  }
0x11: {  	[smem:$0x3FB7] =	sst s9;
	s0 =	simm.s32 @!p0 $0x0  }
0x12: {  	s1 =	sld [smem:$0x3F9D];
	s0 =	simm.s32 @p0 $0x1  }
0x13: {  	[smem:$0x3FB8] =	sst s0;
	s0 =	simm.s32 @!p1 $0x0  }
0x14: {  	s2 =	sld [smem:$0x3F9C];
	s0 =	simm.s32 @p1 $0x1  }
0x15: {  	[smem:$0x3FB9] =	sst s0;
	s0 =	simm.s32 @!p2 $0x0  }
0x16: {  	s3 =	sld [smem:$0x3FDB];
	s0 =	simm.s32 @p2 $0x1  }
0x17: {  	s4 =	simm.s32 $0x1BF5;
	[smem:$0x3FBB] =	sst s0  }
0x18: {  	s0 =	sld [smem:$0x3F9E];
	_ =	swait.ge [sflag:s4], $0x0  }
0x19: {  	s7 =	sld [smem:$0x3F9F]  }
0x1a: {  	s8 =	sadd.s32 $0xFFFFE003, lr  }
0x1b: {  	s9 =	sadd.s32 $0xFFFFFEF7, lr;
	s5 =	simm.s32 $0xFFFFFFFF;
	p2 =	slt.u32 s8, $0xFFFFF086  }
0x1c: {  	p1 =	slt.u32 s9, $0xF7A;
	s5 =	simm.s32 @!p2 $0x0  }
0x1d: {  	s5 =	simm.s32 @p1 $0x1;
	p0 =	seq.s32 s7, s2  }
0x1e: {  	s7 =	smul.u32 @!p0 $0xF7A, s2;
	p2 =	seq.s32 @!p0 s5, $0x0  }
0x1f: {  	s9 =	smul.u32 $0xF7A, s1;
	s8 =	simm.s32 @!p0 $0x1BF5;
	p2 =	por !p2, p0  }
0x20: {  	[sflag:s8] =	ssyncset.s32 @!p0 $0xFFFFF086;
	s6 =	sadd.s32 @!p0 s3, s7;
	s7 =	simm.s32 @!p0 $0x108  }
0x21: {  	s3 =	sadd.s32 s3, s9;
	s6 =	sadd.s32 @!p0 $0x88, s6;
	s7 =	simm.s32 @p2 $0x1082  }
0x22: {  	[simem:s7], [sflag:s8] =	dma.local @!p0 [hbm:s6], $0xF7A  }
0x23: {  	s9 =	sor.u32 $0xD0000000, s2;
	s6 =	simm.s32 $0x108;
	_ =	swait.ge @!p0 [sflag:s8], $0x0  }
0x24: {  	s3 =	sadd.s32 $0x88, s3;
	s6 =	simm.s32 @!p1 $0x1082;
	[sflag:s4] =	ssyncset.s32 $0xFFFFF086  }
0x25: {  	[simem:s6], [sflag:s4] =	dma.local [hbm:s3], $0xF7A  }
0x26: {  	[smem:$0x3F9F] =	sst s1;
	(tag) =	ssettag s2;
	_ =	strace s9  }
0x27: {  	s1 =	sld [smem:$0x3FAF]  }
0x28: {  	s2 =	sld [smem:$0x3FB0]  }
0x29: {  	s4 =	sld [smem:$0x3FB2]  }
0x2a: {  	p0 =	seq.s32 s5, $0x0;
	s5 =	sld [smem:$0x3FB3]  }
0x2b: {  	s6 =	sld [smem:$0x3FB4]  }
0x2c: {  	s7 =	sld [smem:$0x3FB5]  }
0x2d: {  	s3 =	simm.s32 $0x108;
	s8 =	sld [smem:$0x3FB6]  }
0x2e: {  	s3 =	simm.s32 @!p0 $0x1082;
	s9 =	sld [smem:$0x3FB7]  }
0x2f: {  	lr =	sadd.s32 s0, s3;
	s0 =	sld [smem:$0x3FAE]  }
0x30: {  	s3 =	sld [smem:$0x3FB1]  }
0x31: {  	[smem:$0x3FBA] =	sst s10  }
0x32: {  	s10 =	sld [smem:$0x3FB8];
	_ =	sdelay $0x3  }
0x33: {  	p0 =	seq.s32 s10, $0x1;
	s10 =	sld [smem:$0x3FBA];
	_ =	sdelay $0x3  }
0x34: {  	[smem:$0x3FBA] =	sst s10  }
0x35: {  	s10 =	sld [smem:$0x3FB9];
	_ =	sdelay $0x3  }
0x36: {  	p1 =	seq.s32 s10, $0x1;
	s10 =	sld [smem:$0x3FBA];
	_ =	sdelay $0x3  }
0x37: {  	[smem:$0x3FBA] =	sst s10  }
0x38: {  	s10 =	sld [smem:$0x3FBB]  }
0x39: {  	_ = 	snop;
	(pc) =	sbr.ind lr, $3  }
0x3a: {  	_ = 	snop  }
0x3b: {  	_ = 	snop  }
0x3c: {  	p2 =	seq.s32 s10, $0x1;
	s10 =	sld [smem:$0x3FBA]  }
0x3d: {  	_ =	shalt  }
0x3e: {  	_ =	shalt  }
0x3f: {  	_ =	shalt  }
0x40: {  	_ =	shalt  }
0x41: {  	_ =	shalt  }
0x42: {  	_ =	shalt  }
0x43: {  	_ =	shalt  }
0x44: {  	_ =	shalt  }
0x45: {  	_ =	shalt  }
0x46: {  	_ =	shalt  }
0x47: {  	_ =	shalt  }
0x48: {  	_ =	shalt  }
0x49: {  	_ =	shalt  }
0x4a: {  	_ =	shalt  }
0x4b: {  	_ =	shalt  }
0x4c: {  	_ =	shalt  }
0x4d: {  	_ =	shalt  }
0x4e: {  	_ =	shalt  }
0x4f: {  	_ =	shalt  }
0x50: {  	_ =	shalt  }
0x51: {  	_ =	shalt  }
0x52: {  	_ =	shalt  }
0x53: {  	_ =	shalt  }
0x54: {  	_ =	shalt  }
0x55: {  	_ =	shalt  }
0x56: {  	_ =	shalt  }
0x57: {  	_ =	shalt  }
0x58: {  	_ =	shalt  }
0x59: {  	_ =	shalt  }
0x5a: {  	_ =	shalt  }
0x5b: {  	_ =	shalt  }
0x5c: {  	_ =	shalt  }
0x5d: {  	_ =	shalt  }
0x5e: {  	_ =	shalt  }
0x5f: {  	_ =	shalt  }
0x60: {  	_ =	shalt  }
0x61: {  	_ =	shalt  }
0x62: {  	_ =	shalt  }
0x63: {  	_ =	shalt  }
0x64: {  	_ =	shalt  }
0x65: {  	_ =	shalt  }
0x66: {  	_ =	shalt  }
0x67: {  	_ =	shalt  }
0x68: {  	_ =	shalt  }
0x69: {  	_ =	shalt  }
0x6a: {  	_ =	shalt  }
0x6b: {  	_ =	shalt  }
0x6c: {  	_ =	shalt  }
0x6d: {  	_ =	shalt  }
0x6e: {  	_ =	shalt  }
0x6f: {  	_ =	shalt  }
0x70: {  	_ =	shalt  }
0x71: {  	_ =	shalt  }
0x72: {  	_ =	shalt  }
0x73: {  	_ =	shalt  }
0x74: {  	_ =	shalt  }
0x75: {  	_ =	shalt  }
0x76: {  	_ =	shalt  }
0x77: {  	_ =	shalt  }
0x78: {  	_ =	shalt  }
0x79: {  	_ =	shalt  }
0x7a: {  	_ =	shalt  }
0x7b: {  	_ =	shalt  }
0x7c: {  	_ =	shalt  }
0x7d: {  	_ =	shalt  }
0x7e: {  	_ =	shalt  }
0x7f: {  	_ =	shalt  }
0x80: {  	_ =	shalt  }
0x81: {  	_ =	shalt  }
0x82: {  	_ =	shalt  }
0x83: {  	_ =	shalt  }
0x84: {  	_ =	shalt  }
0x85: {  	_ =	shalt  }
0x86: {  	_ =	shalt  }
0x87: {  	_ =	shalt  }
.Lfunc_end0:
.L_simem_size_0:
called_computation_lowered:
.L_overlay_start_0:
0x88: {  	s2 =	sld [smem:$0x3FD9]  }
0x89: {  	s3 =	sld [smem:$0x3FFE];
	_ =	sdelay $0x1  }
0x8a: {  	s1 =	srdreg.scid  }
0x8b: {  	s0 =	sand.u32 $0x1, s1  }
0x8c: {  	s17 =	sshll.u32 s0, $0xA;
	s2 =	sadd.s32 s3, s2  }
0x8d: {  	s2 =	sadd.s32 s2, s17  }
0x8e: {  	[smem:$0x3FC6] =	sst s2  }
0x8f: {  	_ = 	snop  }
0x90: {  	s2 =	sld [smem:$0x3FC8]  }
0x91: {  	s18 =	sld [smem:$0x3FD0];
	(tm) =	ssettm $0x1  }
0x92: {  	s4 =	sld [smem:$0x3FFB];
	_ =	sdelay $0x3  }
0x93: {  	_ =	strace s4  }
0x94: {  	s4 =	sld [smem:$0x3FFC];
	_ =	sdelay $0x3  }
0x95: {  	_ =	strace s4  }
0x96: {  	s4 =	sld [smem:$0x3FFD];
	_ =	sdelay $0x3  }
0x97: {  	_ =	strace s4  }
0x98: {  	_ =	strace $0x8FFFFFFF  }
0x99: {  	s19 =	sld [smem:$0x3FDB];
	_ =	sdelay $0x1  }
0x9a: {  	s5 =	simm.s32 $_scs_section_size  }
0x9b: {  	s6 =	simm.s32 $_size__tile_overlayer_lowered;
	s7 =	simm.s32 $_tile_overlayer_lowered  }
0x9c: {  	s22 =	simm.s32 $0x1BFF;
	s21 =	sshll.u32 s7, $0x1;
	s4 =	sadd.s32 s5, s19  }
0x9d: {  	s8 =	simm.s32 $0x0;
	s20 =	sshll.u32 s6, $0x1;
	s6 =	sadd.s32 s21, s4  }
0x9e: {  	[timem:s8], [sflag:s22] =	dma.local [hbm:s6], s20  }
0x9f: {  	_ =	swait.ge [sflag:s22], s20  }
0xa0: {  	s5 =	ssub.s32 $0x0, s20;
	[sflag:s22] =	ssyncset.done $0x0  }
0xa1: {  	[sflag:s22] =	ssyncadd.s32 s5;
	_ =	sdelay $0x1  }
0xa2: {  	s23 =	simm.s32 $0x1B8B  }
0xa3: {  	_ =	swait.ge [sflag:s23], $0x1  }
0xa4: {  	[sflag:s23] =	ssyncset.done $0x0  }
0xa5: {  	s25 =	simm.s32 $0x1B8E;
	s24 =	sld [smem:$0x3FFE];
	[sflag:s23] =	ssyncadd.s32 $0xFFFFFFFF  }
0xa6: {  	s26 =	simm.s32 $execute0_lowered;
	[smem:$0x3FD2] =	sst s25  }
0xa7: {  	s6 =	sshll.u32 s26, $0x1;
	_ =	strace $0x80000046;
	[dreg:$0x1] =	wrdreg $0xFFFFFFFF  }
0xa8: {  	s28 =	simm.s32 $_size_execute0_lowered;
	s4 =	sadd.s32 s4, s6;
	[dreg:$0x0] =	wrdreg $0x0  }
0xa9: {  	s6 =	sshll.u32 s28, $0x1;
	[dreg:$0x2] =	wrdreg s4  }
0xaa: {  	[dreg:$0x3] =	wrdreg s6  }
0xab: {  	[dreg:$0x4] =	wrdreg $0xC0  }
0xac: {  	_ =	task [dreg:s8], $0x5FFFF  }
0xad: {  	[dreg:$0x1] =	wrdreg $0xFFFFFFFF  }
0xae: {  	[dreg:$0x0] =	wrdreg $0x60  }
0xaf: {  	[dreg:$0x2] =	wrdreg s24  }
0xb0: {  	[dreg:$0x3] =	wrdreg s2  }
0xb1: {  	[dreg:$0x4] =	wrdreg s18  }
0xb2: {  	[dreg:$0x5] =	wrdreg $0x9  }
0xb3: {  	_ =	task.clear_ibuf [dreg:s8], $0x6FFFF;
	_ =	strace $0x90000046  }
0xb4: {  	s29 =	simm.s32 $0x9;
	_ =	strace $0x80000048  }
0xb5: {  	_ =	swait.ge [sflag:s29], $0x1  }
0xb6: {  	[sflag:s29] =	ssyncadd.s32 $0xFFFFFFFF  }
0xb7: {  	_ =	strace $0x90000048  }
0xb8: {  	_ =	sfence  }
0xb9: {  	s30 =	sld [smem:$0x0];
	_ =	sdelay $0x2  }
0xba: {  	s31 =	sshll.u32 s1, $0xD;
	s1 =	sshrl.u32 s1, $0x2  }
0xbb: {  	s3 =	sand.u32 $0x4000, s31;
	s1 =	sadd.s32 s1, s30  }
0xbc: {  	s0 =	sor.u32 s3, s0;
	s1 =	sshll.u32 s1, $0x11  }
0xbd: {  	s0 =	sor.u32 s1, s0  }
0xbe: {  	s0 =	sadd.s32 $0x8F2B, s0  }
0xbf: {  	[sflag:s0] =	ssyncadd.remote.s32 $0x1  }
0xc0: {  	_ =	sfence.sel $0xFFFF  }
0xc1: {  	[dreg:$0x0] =	wrdreg $0xFFFFFFFF;
	(pc) =	sbr.abs _section_cstart, $3  }
0xc2: {  	[dreg:$0x1] =	wrdreg $0xFFFFFFFF  }
0xc3: {  	_ =	task.clear_ibuf [dreg:s8], $0x2FFFF;
	_ =	strace $0x9FFFFFFF  }
0xc4: {  	(tm) =	ssettm $0x7FFFFFFF  }
0xc5: {  	_ =	shalt  }
tec
execute0_lowered:
.L_overlay_start_1:
0x0: {  	(tag) =	ssettag $0x1  }
0x1: {  	s0 =	rddreg [dreg:$0x0]  }
0x2: {  	s2 =	rddreg [dreg:$0x1]  }
0x3: {  	s1 =	srdreg.scid;
	s9 =	stileid.u32  }
0x4: {  	s4 =	rddreg [dreg:$0x2];
	s3 =	simm.s32 $0x0;
	s15 =	simm.s32 $0xD  }
0x5: {  	s16 =	simm.s32 $0x80;
	s17 =	simm.s32 $0x1900;
	s18 =	simm.s32 $0x5900  }
0x6: {  	s28 =	simm.s32 $0x3;
	s1 =	sand.u32 $0x1, s1;
	s5 =	sshll.u32 s9, $0x1  }
0x7: {  	s30 =	simm.s32 $0x15900;
	s22 =	smul.u32 $0x32000, s9;
	s5 =	sor.u32 s1, s5  }
0x8: {  	s31 =	simm.s32 $0x4;
	s19 =	simm.s32 $0x8;
	s6 =	smul.u32 $0x1900, s5  }
0x9: {  	s29 =	simm.s32 $0xA;
	[smem:$0x7FF] =	sst s3;
	s8 =	smul.u32 $0xC8000, s5  }
0xa: {  	_ =	strace $0x80000047;
	s7 =	ssub.s32 $0x2, s1;
	s5 =	smul.u32 $0x19000, s5  }
0xb: {  	s1 =	smul.u32 $0x19000, s1;
	s20 =	sshrl.u32 s7, $0x1;
	s6 =	sshrl.u32 s6, $0x3  }
0xc: {  	s21 =	sshrl.u32 s8, $0x3;
	s5 =	sadd.s32 s4, s5;
	s0 =	sadd.s32 s6, s0  }
0xd: {  	s6 =	ssub.s32 s7, s20;
	[dreg:$0x5] =	wrdreg s5;
	s5 =	sadd.s32 $0x800, s5  }
0xe: {  	s20 =	simm.s32 $0x9900;
	s7 =	simm.s32 $0x0;
	s0 =	sadd.s32 $0x400, s0  }
0xf: {  	[dreg:$0x6] =	wrdreg s5;
	s13 =	smax.u32 s6, $0x1;
	s6 =	simm.s32 $0xC  }
0x10: {  	[dreg:$0x4] =	wrdreg s0;
	s0 =	sadd.s32 s4, s21;
	s4 =	sadd.s32 s22, s4  }
0x11: {  	s21 =	simm.s32 $0x1;
	s22 =	simm.s32 $0x6;
	s23 =	sadd.s32 $0x1000, s0  }
0x12: {  	s24 =	sadd.s32 $0x16800, s0;
	s25 =	sadd.s32 $0x17000, s0;
	[dreg:$0x7] =	wrdreg s23  }
0x13: {  	s26 =	sadd.s32 $0x17800, s0;
	s11 =	sadd.s32 $0x18000, s0;
	[dreg:$0x8] =	wrdreg s24  }
0x14: {  	s1 =	sadd.s32 s1, s4;
	s12 =	sadd.s32 $0x18800, s0;
	[dreg:$0x9] =	wrdreg s25  }
0x15: {  	s0 =	simm.s32 $0x5;
	s4 =	simm.s32 $0xB;
	[dreg:$0xa] =	wrdreg s26  }
0x16: {  	s14 =	sadd.s32 $0x2000, s1;
	s23 =	simm.s32 $0xD900;
	s24 =	simm.s32 $0x2  }
0x17: {  	s26 =	simm.s32 $0x11900;
	s1 =	simm.s32 $0x7;
	s25 =	simm.s32 $0x9  }
.LBB2_1:
0x18: {  	s5 =	rddreg [dreg:$0x4]  }
0x19: {  	[tilespmem:s3], [sflag:$0xD] =	stream.linear.gather [hbm4b:s5+s3], $0x1900, $0x38;
	[tilespmem:$0x19900] =	vst v63  }
0x1a: {  	_ =	swait.ge [sflag:s15], $0x1900  }
0x1b: {  	[sflag:s15] =	ssyncset.done $0x0  }
0x1c: {  	[sflag:s15] =	ssyncadd.s32 $0xFFFFE700  }
0x1d: {  	[tilespmem:s17], [sflag:$0x1] =	stream.indirect.gather [hbm4b:s2+s16], $0x80, s3, s16, $0xb8;
	[tilespmem:$0x19900] =	vst v63  }
0x1e: {  	_ = 	snop  }
0x1f: {  	[tilespmem:s18], [sflag:$0x2] =	stream.indirect.gather [hbm4b:s2+s16], $0x80, s16, s16, $0xb8;
	[tilespmem:$0x19900] =	vst v63  }
0x20: {  	s10 =	simm.s32 $0x100  }
0x21: {  	[tilespmem:s20], [sflag:$0x3] =	stream.indirect.gather [hbm4b:s2+s16], $0x80, s10, s16, $0xb8;
	[tilespmem:$0x19900] =	vst v63  }
0x22: {  	_ =	swait.ge [sflag:s21], $0x4000  }
0x23: {  	[sflag:s21] =	ssyncset.done $0x0  }
0x24: {  	s8 =	rddreg [dreg:$0x5];
	[sflag:s21] =	ssyncadd.s32 $0xFFFFC000  }
0x25: {  	[hbm4b:s8+s3] =	stream.linear.scatter [tilespmem:s17], [sflag:$0x7], $0x4000, $0x38;
	[tilespmem:$0x19900] =	vst v63  }
0x26: {  	s9 =	simm.s32 $0x180  }
0x27: {  	[tilespmem:s23], [sflag:$0x4] =	stream.indirect.gather [hbm4b:s2+s16], $0x80, s9, s16, $0xb8;
	[tilespmem:$0x19900] =	vst v63  }
0x28: {  	_ =	swait.ge [sflag:s24], $0x4000  }
0x29: {  	[sflag:s24] =	ssyncset.done $0x0  }
0x2a: {  	s10 =	rddreg [dreg:$0x6];
	[sflag:s24] =	ssyncadd.s32 $0xFFFFC000  }
0x2b: {  	[hbm4b:s10+s3] =	stream.linear.scatter [tilespmem:s18], [sflag:$0x8], $0x4000, $0x38;
	[tilespmem:$0x19900] =	vst v63  }
0x2c: {  	s8 =	simm.s32 $0x200  }
0x2d: {  	[tilespmem:s26], [sflag:$0x5] =	stream.indirect.gather [hbm4b:s2+s16], $0x80, s8, s16, $0xb8;
	[tilespmem:$0x19900] =	vst v63  }
0x2e: {  	_ =	swait.ge [sflag:s28], $0x4000  }
0x2f: {  	[sflag:s28] =	ssyncset.done $0x0  }
0x30: {  	s9 =	rddreg [dreg:$0x7];
	[sflag:s28] =	ssyncadd.s32 $0xFFFFC000  }
0x31: {  	[hbm4b:s9+s3] =	stream.linear.scatter [tilespmem:s20], [sflag:$0x9], $0x4000, $0x38;
	[tilespmem:$0x19900] =	vst v63  }
0x32: {  	s10 =	simm.s32 $0x280  }
0x33: {  	[tilespmem:s30], [sflag:$0x6] =	stream.indirect.gather [hbm4b:s2+s16], $0x80, s10, s16, $0xb8;
	[tilespmem:$0x19900] =	vst v63  }
0x34: {  	_ =	swait.ge [sflag:s31], $0x4000  }
0x35: {  	[sflag:s31] =	ssyncset.done $0x0  }
0x36: {  	s8 =	sadd.s32 $0xFFFFF800, s14;
	[sflag:s31] =	ssyncadd.s32 $0xFFFFC000  }
0x37: {  	[hbm4b:s8+s3] =	stream.linear.scatter [tilespmem:s23], [sflag:$0xA], $0x4000, $0x38;
	[tilespmem:$0x19900] =	vst v63  }
0x38: {  	_ =	swait.ge [sflag:s1], $0x4000  }
0x39: {  	[sflag:s1] =	ssyncset.done $0x0  }
0x3a: {  	s5 =	simm.s32 $0x300;
	[sflag:s1] =	ssyncadd.s32 $0xFFFFC000  }
0x3b: {  	[tilespmem:s17], [sflag:$0x1] =	stream.indirect.gather [hbm4b:s2+s16], $0x80, s5, s16, $0xb8;
	[tilespmem:$0x19900] =	vst v63  }
0x3c: {  	_ =	swait.ge [sflag:s0], $0x4000  }
0x3d: {  	[sflag:s0] =	ssyncset.done $0x0  }
0x3e: {  	[sflag:s0] =	ssyncadd.s32 $0xFFFFC000  }
0x3f: {  	[hbm4b:s14+s3] =	stream.linear.scatter [tilespmem:s26], [sflag:$0xB], $0x4000, $0x38;
	[tilespmem:$0x19900] =	vst v63  }
0x40: {  	_ =	swait.ge [sflag:s19], $0x4000  }
0x41: {  	[sflag:s19] =	ssyncset.done $0x0  }
0x42: {  	s9 =	simm.s32 $0x380;
	[sflag:s19] =	ssyncadd.s32 $0xFFFFC000  }
0x43: {  	[tilespmem:s18], [sflag:$0x2] =	stream.indirect.gather [hbm4b:s2+s16], $0x80, s9, s16, $0xb8;
	[tilespmem:$0x19900] =	vst v63  }
0x44: {  	_ =	swait.ge [sflag:s22], $0x4000  }
0x45: {  	[sflag:s22] =	ssyncset.done $0x0  }
0x46: {  	s10 =	sadd.s32 $0x800, s14;
	[sflag:s22] =	ssyncadd.s32 $0xFFFFC000  }
0x47: {  	[hbm4b:s10+s3] =	stream.linear.scatter [tilespmem:s30], [sflag:$0xC], $0x4000, $0x38;
	[tilespmem:$0x19900] =	vst v63  }
0x48: {  	_ =	swait.ge [sflag:s25], $0x4000  }
0x49: {  	[sflag:s25] =	ssyncset.done $0x0  }
0x4a: {  	s5 =	simm.s32 $0x400;
	[sflag:s25] =	ssyncadd.s32 $0xFFFFC000  }
0x4b: {  	[tilespmem:s20], [sflag:$0x3] =	stream.indirect.gather [hbm4b:s2+s16], $0x80, s5, s16, $0xb8;
	[tilespmem:$0x19900] =	vst v63  }
0x4c: {  	_ =	swait.ge [sflag:s21], $0x4000  }
0x4d: {  	[sflag:s21] =	ssyncset.done $0x0  }
0x4e: {  	s9 =	sadd.s32 $0x1000, s14;
	[sflag:s21] =	ssyncadd.s32 $0xFFFFC000  }
0x4f: {  	[hbm4b:s9+s3] =	stream.linear.scatter [tilespmem:s17], [sflag:$0x7], $0x4000, $0x38;
	[tilespmem:$0x19900] =	vst v63  }
0x50: {  	_ =	swait.ge [sflag:s29], $0x4000  }
0x51: {  	[sflag:s29] =	ssyncset.done $0x0  }
0x52: {  	s10 =	simm.s32 $0x480;
	[sflag:s29] =	ssyncadd.s32 $0xFFFFC000  }
0x53: {  	[tilespmem:s23], [sflag:$0x4] =	stream.indirect.gather [hbm4b:s2+s16], $0x80, s10, s16, $0xb8;
	[tilespmem:$0x19900] =	vst v63  }
0x54: {  	_ =	swait.ge [sflag:s24], $0x4000  }
0x55: {  	[sflag:s24] =	ssyncset.done $0x0  }
0x56: {  	s5 =	sadd.s32 $0x1800, s14;
	[sflag:s24] =	ssyncadd.s32 $0xFFFFC000  }
0x57: {  	[hbm4b:s5+s3] =	stream.linear.scatter [tilespmem:s18], [sflag:$0x8], $0x4000, $0x38;
	[tilespmem:$0x19900] =	vst v63  }
0x58: {  	_ =	swait.ge [sflag:s4], $0x4000  }
0x59: {  	[sflag:s4] =	ssyncset.done $0x0  }
0x5a: {  	s9 =	simm.s32 $0x500;
	[sflag:s4] =	ssyncadd.s32 $0xFFFFC000  }
0x5b: {  	[tilespmem:s26], [sflag:$0x5] =	stream.indirect.gather [hbm4b:s2+s16], $0x80, s9, s16, $0xb8;
	[tilespmem:$0x19900] =	vst v63  }
0x5c: {  	_ =	swait.ge [sflag:s28], $0x4000  }
0x5d: {  	[sflag:s28] =	ssyncset.done $0x0  }
0x5e: {  	s10 =	sadd.s32 $0x2000, s14;
	[sflag:s28] =	ssyncadd.s32 $0xFFFFC000  }
0x5f: {  	[hbm4b:s10+s3] =	stream.linear.scatter [tilespmem:s20], [sflag:$0x9], $0x4000, $0x38;
	[tilespmem:$0x19900] =	vst v63  }
0x60: {  	_ =	swait.ge [sflag:s6], $0x4000  }
0x61: {  	s8 =	simm.s32 $0xC00;
	[sflag:s6] =	ssyncset.done $0x0  }
0x62: {  	s9 =	sadd.s32 $0x3000, s14;
	s10 =	simm.s32 $0x580;
	[sflag:s6] =	ssyncadd.s32 $0xFFFFC000  }
.LBB2_2:
0x63: {  	[tilespmem:s30], [sflag:$0x6] =	stream.indirect.gather [hbm4b:s2+s16], $0x80, s10, s16, $0xb8;
	[tilespmem:$0x19900] =	vst v63  }
0x64: {  	s10 =	smov.u32 s8  }
0x65: {  	p0 =	sne.s32 s8, $0x4800;
	s8 =	sadd.s32 $0xC00, s8;
	_ =	swait.ge [sflag:s31], $0x4000  }
0x66: {  	[sflag:s31] =	ssyncset.done $0x0  }
0x67: {  	s5 =	sadd.s32 $0xFFFFF800, s9;
	[sflag:s31] =	ssyncadd.s32 $0xFFFFC000  }
0x68: {  	[hbm4b:s5+s3] =	stream.linear.scatter [tilespmem:s23], [sflag:$0xA], $0x4000, $0x38;
	[tilespmem:$0x19900] =	vst v63  }
0x69: {  	_ =	swait.ge [sflag:s1], $0x4000  }
0x6a: {  	s10 =	sshra.s32 s10, $0x2;
	[sflag:s1] =	ssyncset.done $0x0  }
0x6b: {  	s5 =	sadd.s32 $0x300, s10;
	[sflag:s1] =	ssyncadd.s32 $0xFFFFC000  }
0x6c: {  	[tilespmem:s17], [sflag:$0x1] =	stream.indirect.gather [hbm4b:s2+s16], $0x80, s5, s16, $0xb8;
	[tilespmem:$0x19900] =	vst v63  }
0x6d: {  	_ =	swait.ge [sflag:s0], $0x4000  }
0x6e: {  	[sflag:s0] =	ssyncset.done $0x0  }
0x6f: {  	[sflag:s0] =	ssyncadd.s32 $0xFFFFC000  }
0x70: {  	[hbm4b:s9+s3] =	stream.linear.scatter [tilespmem:s26], [sflag:$0xB], $0x4000, $0x38;
	[tilespmem:$0x19900] =	vst v63  }
0x71: {  	_ =	swait.ge [sflag:s19], $0x4000  }
0x72: {  	[sflag:s19] =	ssyncset.done $0x0  }
0x73: {  	s5 =	sadd.s32 $0x380, s10;
	[sflag:s19] =	ssyncadd.s32 $0xFFFFC000  }
0x74: {  	[tilespmem:s18], [sflag:$0x2] =	stream.indirect.gather [hbm4b:s2+s16], $0x80, s5, s16, $0xb8;
	[tilespmem:$0x19900] =	vst v63  }
0x75: {  	_ =	swait.ge [sflag:s22], $0x4000  }
0x76: {  	[sflag:s22] =	ssyncset.done $0x0  }
0x77: {  	s5 =	sadd.s32 $0x800, s9;
	[sflag:s22] =	ssyncadd.s32 $0xFFFFC000  }
0x78: {  	[hbm4b:s5+s3] =	stream.linear.scatter [tilespmem:s30], [sflag:$0xC], $0x4000, $0x38;
	[tilespmem:$0x19900] =	vst v63  }
0x79: {  	_ =	swait.ge [sflag:s25], $0x4000  }
0x7a: {  	[sflag:s25] =	ssyncset.done $0x0  }
0x7b: {  	s5 =	sadd.s32 $0x400, s10;
	[sflag:s25] =	ssyncadd.s32 $0xFFFFC000  }
0x7c: {  	[tilespmem:s20], [sflag:$0x3] =	stream.indirect.gather [hbm4b:s2+s16], $0x80, s5, s16, $0xb8;
	[tilespmem:$0x19900] =	vst v63  }
0x7d: {  	_ =	swait.ge [sflag:s21], $0x4000  }
0x7e: {  	[sflag:s21] =	ssyncset.done $0x0  }
0x7f: {  	s5 =	sadd.s32 $0x1000, s9;
	[sflag:s21] =	ssyncadd.s32 $0xFFFFC000  }
0x80: {  	[hbm4b:s5+s3] =	stream.linear.scatter [tilespmem:s17], [sflag:$0x7], $0x4000, $0x38;
	[tilespmem:$0x19900] =	vst v63  }
0x81: {  	_ =	swait.ge [sflag:s29], $0x4000  }
0x82: {  	[sflag:s29] =	ssyncset.done $0x0  }
0x83: {  	s5 =	sadd.s32 $0x480, s10;
	[sflag:s29] =	ssyncadd.s32 $0xFFFFC000  }
0x84: {  	[tilespmem:s23], [sflag:$0x4] =	stream.indirect.gather [hbm4b:s2+s16], $0x80, s5, s16, $0xb8;
	[tilespmem:$0x19900] =	vst v63  }
0x85: {  	_ =	swait.ge [sflag:s24], $0x4000  }
0x86: {  	[sflag:s24] =	ssyncset.done $0x0  }
0x87: {  	s5 =	sadd.s32 $0x1800, s9;
	[sflag:s24] =	ssyncadd.s32 $0xFFFFC000  }
0x88: {  	[hbm4b:s5+s3] =	stream.linear.scatter [tilespmem:s18], [sflag:$0x8], $0x4000, $0x38;
	[tilespmem:$0x19900] =	vst v63  }
0x89: {  	_ =	swait.ge [sflag:s4], $0x4000  }
0x8a: {  	[sflag:s4] =	ssyncset.done $0x0  }
0x8b: {  	s5 =	sadd.s32 $0x500, s10;
	[sflag:s4] =	ssyncadd.s32 $0xFFFFC000  }
0x8c: {  	[tilespmem:s26], [sflag:$0x5] =	stream.indirect.gather [hbm4b:s2+s16], $0x80, s5, s16, $0xb8;
	[tilespmem:$0x19900] =	vst v63  }
0x8d: {  	_ =	swait.ge [sflag:s28], $0x4000  }
0x8e: {  	[sflag:s28] =	ssyncset.done $0x0  }
.Ltmp0:
0x8f: {  	s5 =	sadd.s32 $0x2000, s9;
	[sflag:s28] =	ssyncadd.s32 $0xFFFFC000;
	(pc) =	sbr.rel @p0 .LBB2_2-.Ltmp0, $4  }
0x90: {  	[hbm4b:s5+s3] =	stream.linear.scatter [tilespmem:s20], [sflag:$0x9], $0x4000, $0x38;
	[tilespmem:$0x19900] =	vst v63  }
0x91: {  	_ =	swait.ge [sflag:s6], $0x4000  }
0x92: {  	[sflag:s6] =	ssyncset.done $0x0  }
0x93: {  	s10 =	sadd.s32 $0x580, s10;
	s9 =	sadd.s32 $0x3000, s9;
	[sflag:s6] =	ssyncadd.s32 $0xFFFFC000  }
0x94: {  	[tilespmem:s30], [sflag:$0x6] =	stream.indirect.gather [hbm4b:s2+s16], $0x80, s10, s16, $0xb8;
	[tilespmem:$0x19900] =	vst v63  }
0x95: {  	_ =	swait.ge [sflag:s31], $0x4000  }
0x96: {  	[sflag:s31] =	ssyncset.done $0x0  }
0x97: {  	s5 =	rddreg [dreg:$0x8];
	[sflag:s31] =	ssyncadd.s32 $0xFFFFC000  }
0x98: {  	[hbm4b:s5+s3] =	stream.linear.scatter [tilespmem:s23], [sflag:$0xA], $0x4000, $0x38;
	[tilespmem:$0x19900] =	vst v63  }
0x99: {  	_ =	swait.ge [sflag:s1], $0x4000  }
0x9a: {  	[sflag:s1] =	ssyncset.done $0x0  }
0x9b: {  	s10 =	simm.s32 $0x1800;
	[sflag:s1] =	ssyncadd.s32 $0xFFFFC000  }
0x9c: {  	[tilespmem:s17], [sflag:$0x1] =	stream.indirect.gather [hbm4b:s2+s16], $0x80, s10, s16, $0xb8;
	[tilespmem:$0x19900] =	vst v63  }
0x9d: {  	_ =	swait.ge [sflag:s0], $0x4000  }
0x9e: {  	[sflag:s0] =	ssyncset.done $0x0  }
0x9f: {  	s8 =	rddreg [dreg:$0x9];
	[sflag:s0] =	ssyncadd.s32 $0xFFFFC000  }
0xa0: {  	[hbm4b:s8+s3] =	stream.linear.scatter [tilespmem:s26], [sflag:$0xB], $0x4000, $0x38;
	[tilespmem:$0x19900] =	vst v63  }
0xa1: {  	_ =	swait.ge [sflag:s19], $0x4000  }
0xa2: {  	[sflag:s19] =	ssyncset.done $0x0  }
0xa3: {  	s9 =	simm.s32 $0x1880;
	[sflag:s19] =	ssyncadd.s32 $0xFFFFC000  }
0xa4: {  	[tilespmem:s18], [sflag:$0x2] =	stream.indirect.gather [hbm4b:s2+s16], $0x80, s9, s16, $0xb8;
	[tilespmem:$0x19900] =	vst v63  }
0xa5: {  	_ =	swait.ge [sflag:s22], $0x4000  }
0xa6: {  	[sflag:s22] =	ssyncset.done $0x0  }
0xa7: {  	s10 =	rddreg [dreg:$0xa];
	[sflag:s22] =	ssyncadd.s32 $0xFFFFC000  }
0xa8: {  	[hbm4b:s10+s3] =	stream.linear.scatter [tilespmem:s30], [sflag:$0xC], $0x4000, $0x38;
	[tilespmem:$0x19900] =	vst v63  }
0xa9: {  	_ =	swait.ge [sflag:s21], $0x4000  }
0xaa: {  	[sflag:s21] =	ssyncset.done $0x0  }
0xab: {  	[sflag:s21] =	ssyncadd.s32 $0xFFFFC000  }
0xac: {  	[hbm4b:s11+s3] =	stream.linear.scatter [tilespmem:s17], [sflag:$0x7], $0x4000, $0x38;
	[tilespmem:$0x19900] =	vst v63  }
0xad: {  	_ =	swait.ge [sflag:s24], $0x4000  }
0xae: {  	[sflag:s24] =	ssyncset.done $0x0  }
0xaf: {  	[sflag:s24] =	ssyncadd.s32 $0xFFFFC000  }
0xb0: {  	[hbm4b:s12+s3] =	stream.linear.scatter [tilespmem:s18], [sflag:$0x8], $0x4000, $0x38;
	[tilespmem:$0x19900] =	vst v63  }
0xb1: {  	_ =	swait.ge [sflag:s1], $0x4000  }
0xb2: {  	[sflag:s1] =	ssyncset.done $0x0  }
0xb3: {  	[sflag:s1] =	ssyncadd.s32 $0xFFFFC000  }
0xb4: {  	_ =	swait.ge [sflag:s19], $0x4000  }
0xb5: {  	[sflag:s19] =	ssyncset.done $0x0  }
0xb6: {  	[sflag:s19] =	ssyncadd.s32 $0xFFFFC000  }
0xb7: {  	_ =	swait.ge [sflag:s25], $0x4000  }
0xb8: {  	[sflag:s25] =	ssyncset.done $0x0  }
0xb9: {  	[sflag:s25] =	ssyncadd.s32 $0xFFFFC000  }
0xba: {  	_ =	swait.ge [sflag:s29], $0x4000  }
0xbb: {  	[sflag:s29] =	ssyncset.done $0x0  }
0xbc: {  	s7 =	sadd.s32 $0x1, s7;
	[sflag:s29] =	ssyncadd.s32 $0xFFFFC000  }
0xbd: {  	p0 =	sne.s32 s7, s13;
	_ =	swait.ge [sflag:s4], $0x4000  }
.Ltmp1:
0xbe: {  	[sflag:s4] =	ssyncset.done $0x0;
	(pc) =	sbr.rel @p0 .LBB2_1-.Ltmp1, $4  }
0xbf: {  	[sflag:s4] =	ssyncadd.s32 $0xFFFFC000  }
0xc0: {  	_ =	swait.ge [sflag:s6], $0x4000  }
0xc1: {  	[sflag:s6] =	ssyncset.done $0x0  }
0xc2: {  	[sflag:s6] =	ssyncadd.s32 $0xFFFFC000  }
0xc3: {  	_ =	sfence.sel $0x180000  }
0xc4: {  	[bflag:$0x0] =	sbarrier.arrive $0xFFFF  }
0xc5: {  	_ =	strace $0x90000047  }
0xc6: {  	s0 =	stileid.u32;
	[bflag:$0x2] =	sbarrier.arrive $0xFFFF  }
0xc7: {  	p0 =	sne.s32 s0, $0x0;
	s0 =	rddreg [dreg:$0x3]  }
0xc8: {  	s0 =	sadd.s32 @!p0 $0x100000, s0  }
0xc9: {  	[sflag:s0] =	ssyncadd.tile.s32 @!p0 $0x1;
	_ =	shalt  }
.Lfunc_end2:
_tile_overlayer_lowered:
.L_overlay_start_2:
0xca: {  	(tag) =	ssettag $0x2  }
0xcb: {  	s0 =	rddreg [dreg:$0x0];
	s2 =	stileid.u32  }
0xcc: {  	s1 =	rddreg [dreg:$0x1];
	p0 =	sne.s32 s2, $0x0  }
0xcd: {  	s3 =	rddreg [dreg:$0x2];
	[bflag:$0x3] =	sbarrier.arrive $0xFFFF;
	s2 =	simm.s32 @!p0 $0x1C0D  }
0xce: {  	[timem:s3], [sflag:s2] =	dma.local @!p0 [hbm:s0], s1  }
0xcf: {  	s0 =	simm.s32 @!p0 $0xD  }
0xd0: {  	_ =	swait.ge @!p0 [sflag:s0], s1  }
0xd1: {  	s1 =	ssub.s32 @!p0 $0x0, s1;
	[sflag:s0] =	ssyncset.done @!p0 $0x0  }
0xd2: {  	[sflag:s0] =	ssyncadd.s32 @!p0 s1  }
0xd3: {  	[bflag:$0x3] =	sbarrier.arrive $0xFFFF  }
0xd4: {  	_ =	shalt  }

</sc_bundles>
